<compile_context>
chip_gen: v7x
topology: tpu7x:2x2x1
jax: 0.10.2.dev20260603
libtpu: 0.0.44.dev20260713+nightly
codegen_flags: <defaults>
</compile_context>

<pallas_src>
import functools

import jax
import jax.numpy as jnp
from jax import lax
from jax.experimental import pallas as pl
from jax.experimental.pallas import tpu as pltpu
from jax.experimental.pallas import tpu_sc as plsc

N = 10000
D = 128
H = 64
C = 4

NPAD = 10240
ROWS_PER_TILE = NPAD // 16
NCORES = 2
NTILES = NCORES * 16


def _make_agg(e_pad, width):
    chunk = 128 if width <= 64 else 64
    ept = e_pad // NTILES
    cpt = ept // chunk
    nbuf = 4 if width <= 64 else 2
    nslots = 2 * nbuf
    groups = cpt // nbuf
    assert cpt % (2 * nbuf) == 0
    mesh = plsc.VectorSubcoreMesh(core_axis_name="c", subcore_axis_name="s")

    @functools.partial(
        pl.kernel,
        out_type=jax.ShapeDtypeStruct((NCORES, NPAD, width), jnp.float32),
        mesh=mesh,
        scratch_types=[
            pltpu.VMEM((cpt, chunk), jnp.int32),
            pltpu.VMEM((cpt, chunk), jnp.int32),
            [pltpu.VMEM((chunk, width), jnp.float32)] * nslots,
            pltpu.VMEM_SHARED((NPAD, width), jnp.float32),
            [pltpu.SemaphoreType.DMA] * nslots,
        ],
        compiler_params=pltpu.CompilerParams(use_tc_tiling_on_sc=False),
    )
    def agg(y_hbm, src_hbm, dst_hbm, zero_hbm, out_hbm,
            src_v, dst_v, rows_v, acc, gsem):
        cid = lax.axis_index("c")
        sid = lax.axis_index("s")
        tile = cid * 16 + sid

        @pl.when(sid == 0)
        def _():
            pltpu.sync_copy(zero_hbm, acc)

        pltpu.sync_copy(src_hbm.at[pl.ds(tile * cpt, cpt)], src_v)
        pltpu.sync_copy(dst_hbm.at[pl.ds(tile * cpt, cpt)], dst_v)
        plsc.subcore_barrier()

        def gather(j, slot):
            pltpu.async_copy(y_hbm.at[src_v.at[j]], rows_v[slot], gsem[slot])

        def gather_wait(j, slot):
            pltpu.make_async_copy(y_hbm.at[src_v.at[j]], rows_v[slot],
                                  gsem[slot]).wait()

        def scatter(j, slot):
            pltpu.sync_copy(rows_v[slot], acc.at[dst_v.at[j]], add=True)

        for b in range(nbuf):
            gather(b, b)

        if width <= 64:
            def phase(g, base):
                other = nbuf - base
                for b in range(nbuf):
                    gather(jnp.minimum((g + 1) * nbuf + b, cpt - 1),
                           other + b)
                for b in range(nbuf):
                    gather_wait(g * nbuf + b, base + b)
                    scatter(g * nbuf + b, base + b)

            def pair(p, carry):
                phase(2 * p, 0)
                phase(2 * p + 1, nbuf)
                return carry

            lax.fori_loop(0, groups // 2, pair, 0)
            for b in range(nbuf):
                gather_wait(cpt - 1, b)
        else:
            def body(g, carry):
                for b in range(nbuf):
                    gather_wait(g * nbuf + b, b)
                    scatter(g * nbuf + b, b)
                    gather(jnp.minimum((g + 1) * nbuf + b, cpt - 1), b)
                return carry

            lax.fori_loop(0, groups, body, 0)
            for b in range(nbuf):
                gather_wait(cpt - 1, b)

        plsc.subcore_barrier()
        pltpu.sync_copy(
            acc.at[pl.ds(sid * ROWS_PER_TILE, ROWS_PER_TILE)],
            out_hbm.at[cid, pl.ds(sid * ROWS_PER_TILE, ROWS_PER_TILE)],
        )

    return agg


def _gin_mlp(pre, w1_ref, g_ref, beta_ref, w2_ref, b2_ref):
    h = jnp.dot(pre, w1_ref[...], preferred_element_type=jnp.float32)
    mu = jnp.sum(h, axis=0) / N
    dev = h - mu
    var = (jnp.sum(dev * dev, axis=0) - (NPAD - N) * mu * mu) / N
    hn = dev / jnp.sqrt(var + 1e-5) * g_ref[...] + beta_ref[...]
    a = jnp.maximum(hn, 0.0)
    return jnp.maximum(
        jnp.dot(a, w2_ref[...], preferred_element_type=jnp.float32)
        + b2_ref[...], 0.0)


def _mlp1_body(x_ref, agg_ref, w1_ref, g_ref, beta_ref, w2_ref, b2_ref,
               o_ref):
    pre = x_ref[...] + agg_ref[0] + agg_ref[1]
    h1 = _gin_mlp(pre, w1_ref, g_ref, beta_ref, w2_ref, b2_ref)
    mask = lax.broadcasted_iota(jnp.int32, (NPAD, 1), 0) < N
    o_ref[...] = jnp.where(mask, h1, 0.0)


def _mlp2_head_body(h1_ref, agg_ref, w1_ref, g_ref, beta_ref, w2_ref, b2_ref,
                    fw1_ref, fb1_ref, fw2_ref, fb2_ref, o_ref):
    pre = h1_ref[...] + agg_ref[0] + agg_ref[1]
    h2 = _gin_mlp(pre, w1_ref, g_ref, beta_ref, w2_ref, b2_ref)
    t = jnp.maximum(
        jnp.dot(h2, fw1_ref[...], preferred_element_type=jnp.float32)
        + fb1_ref[...], 0.0)
    o_ref[...] = (jnp.dot(t, fw2_ref[...], preferred_element_type=jnp.float32)
                  + fb2_ref[...])


def kernel(x, edge_index, c1_W1, c1_b1, c1_g, c1_beta, c1_W2, c1_b2,
           c2_W1, c2_b1, c2_g, c2_beta, c2_W2, c2_b2,
           f_W1, f_b1, f_W2, f_b2):
    e = edge_index.shape[1]
    quantum = NTILES * 128 * 8
    e_pad = -(-e // quantum) * quantum
    nch = e_pad // 128

    x_pad = jnp.zeros((NPAD, D), jnp.float32).at[:N].set(x)
    pad_idx = jnp.full((e_pad - e,), N, jnp.int32)
    src_flat = jnp.concatenate([edge_index[0], pad_idx])
    dst_flat = jnp.concatenate([edge_index[1], pad_idx])
    zeros_d = jnp.zeros((NPAD, D), jnp.float32)
    zeros_h = jnp.zeros((NPAD, H), jnp.float32)

    agg1 = _make_agg(e_pad, D)(x_pad, src_flat.reshape(-1, 64),
                               dst_flat.reshape(-1, 64), zeros_d)

    h1 = pl.pallas_call(
        _mlp1_body,
        out_shape=jax.ShapeDtypeStruct((NPAD, H), jnp.float32),
    )(x_pad, agg1, c1_W1, c1_g, c1_beta, c1_W2, c1_b2)

    agg2 = _make_agg(e_pad, H)(h1, src_flat.reshape(-1, 128),
                               dst_flat.reshape(-1, 128), zeros_h)

    out = pl.pallas_call(
        _mlp2_head_body,
        out_shape=jax.ShapeDtypeStruct((NPAD, C), jnp.float32),
    )(h1, agg2, c2_W1, c2_g, c2_beta, c2_W2, c2_b2, f_W1, f_b1, f_W2, f_b2)

    return out[:N]

# --- scband reference (transcript-rebuilt; emitter-appended) ---
"""Pipeline reference for scband-improved-gin-73177652789848 (READ-ONLY COPY).

The authoritative reference and input builder live on the scoring server;
editing this copy changes nothing except your own understanding.
"""

import jax, jax.numpy as jnp
import numpy as np

N = 10000
E = 320000
D = 128
H = 64
C = 4


def _mlp(h, W1, b1, g, beta, W2, b2):
    h = h @ W1 + b1
    mu = jnp.mean(h, axis=0)
    var = jnp.var(h, axis=0)
    h = (h - mu) / jnp.sqrt(var + 1e-5) * g + beta
    h = jax.nn.relu(h)
    h = h @ W2 + b2
    return jax.nn.relu(h)


def setup_inputs(seed: int = 0):
    key = jax.random.key(seed)
    ks = jax.random.split(key, 12)
    x = jax.random.normal(ks[0], (N, D), dtype=jnp.float32)
    edge_index = jax.random.randint(ks[1], (2, E), 0, N, dtype=jnp.int32)

    def lin(k, fi, fo):
        return (jax.random.normal(k, (fi, fo), dtype=jnp.float32) / np.sqrt(fi)).astype(jnp.float32)

    inp = {
        "x": x,
        "edge_index": edge_index,
        "c1_W1": lin(ks[2], D, H), "c1_b1": jnp.zeros((H,), jnp.float32),
        "c1_g": jnp.ones((H,), jnp.float32), "c1_beta": jnp.zeros((H,), jnp.float32),
        "c1_W2": lin(ks[3], H, H), "c1_b2": jnp.zeros((H,), jnp.float32),
        "c2_W1": lin(ks[4], H, H), "c2_b1": jnp.zeros((H,), jnp.float32),
        "c2_g": jnp.ones((H,), jnp.float32), "c2_beta": jnp.zeros((H,), jnp.float32),
        "c2_W2": lin(ks[5], H, H), "c2_b2": jnp.zeros((H,), jnp.float32),
        "f_W1": lin(ks[6], H, H // 2), "f_b1": jnp.zeros((H // 2,), jnp.float32),
        "f_W2": lin(ks[7], H // 2, C), "f_b2": jnp.zeros((C,), jnp.float32),
    }
    return inp


def reference(x, edge_index, c1_W1, c1_b1, c1_g, c1_beta, c1_W2, c1_b2,
              c2_W1, c2_b1, c2_g, c2_beta, c2_W2, c2_b2,
              f_W1, f_b1, f_W2, f_b2):
    src = edge_index[0]
    dst = edge_index[1]
    # GINConv layer 1: x' = MLP((1+eps)*x + sum_{j->i} x_j), eps=0
    agg = jnp.zeros_like(x).at[dst].add(x[src])
    h = _mlp(x + agg, c1_W1, c1_b1, c1_g, c1_beta, c1_W2, c1_b2)
    # GINConv layer 2
    agg2 = jnp.zeros_like(h).at[dst].add(h[src])
    h = _mlp(h + agg2, c2_W1, c2_b1, c2_g, c2_beta, c2_W2, c2_b2)
    # global_mean_pool with batch = arange(N) -> each node is its own graph (identity)
    h = jax.nn.relu(h @ f_W1 + f_b1)
    return h @ f_W2 + f_b2

if __name__ == "__main__":
    import jax
    _d = setup_inputs()
    print(jax.jit(kernel)(*tuple(_d.values())))

</pallas_src>

<mosaic_0001>
#map = affine_map<(d0, d1) -> (0, 0)>
#map1 = affine_map<(d0, d1) -> (0, 0, 0)>
module attributes {stable_mosaic.version = 14 : i64} {
  func.func @agg(%arg0: i32, %arg1: i32, %arg2: memref<10240x64xf32, #tpu.memory_space<hbm>>, %arg3: memref<2560x128xi32, #tpu.memory_space<hbm>>, %arg4: memref<2560x128xi32, #tpu.memory_space<hbm>>, %arg5: memref<10240x64xf32, #tpu.memory_space<hbm>>, %arg6: memref<2x10240x64xf32, #tpu.memory_space<hbm>>, %arg7: memref<80x128xi32, #tpu.memory_space<vmem>>, %arg8: memref<80x128xi32, #tpu.memory_space<vmem>>, %arg9: memref<128x64xf32, #tpu.memory_space<vmem>>, %arg10: memref<128x64xf32, #tpu.memory_space<vmem>>, %arg11: memref<128x64xf32, #tpu.memory_space<vmem>>, %arg12: memref<128x64xf32, #tpu.memory_space<vmem>>, %arg13: memref<128x64xf32, #tpu.memory_space<vmem>>, %arg14: memref<128x64xf32, #tpu.memory_space<vmem>>, %arg15: memref<128x64xf32, #tpu.memory_space<vmem>>, %arg16: memref<128x64xf32, #tpu.memory_space<vmem>>, %arg17: memref<10240x64xf32, #tpu.memory_space<vmem_shared>>, %arg18: memref<!tpu.dma_semaphore, #tpu.memory_space<semaphore_mem>>, %arg19: memref<!tpu.dma_semaphore, #tpu.memory_space<semaphore_mem>>, %arg20: memref<!tpu.dma_semaphore, #tpu.memory_space<semaphore_mem>>, %arg21: memref<!tpu.dma_semaphore, #tpu.memory_space<semaphore_mem>>, %arg22: memref<!tpu.dma_semaphore, #tpu.memory_space<semaphore_mem>>, %arg23: memref<!tpu.dma_semaphore, #tpu.memory_space<semaphore_mem>>, %arg24: memref<!tpu.dma_semaphore, #tpu.memory_space<semaphore_mem>>, %arg25: memref<!tpu.dma_semaphore, #tpu.memory_space<semaphore_mem>>) attributes {dimension_semantics = [#tpu.dimension_semantics<core_parallel>, #tpu.dimension_semantics<subcore_parallel>], iteration_bounds = array<i64: 2, 16>, scalar_prefetch = 0 : i64, scratch_operands = 19 : i64, tpu.core_type = #tpu.core_type<sc_vector_subcore>, window_params = [{transform_indices = #map}, {transform_indices = #map}, {transform_indices = #map}, {transform_indices = #map}, {transform_indices = #map1}]} {
    %mul3A = arith.constant 16 : i32
    %mul3A_0 = arith.muli %arg0, %mul3A : i32
    %add3A = arith.addi %mul3A_0, %arg1 : i32
    %eq3A = arith.constant 0 : i32
    %eq3A_1 = arith.cmpi eq, %arg1, %eq3A : i32
    %convert_element_type3A = arith.extui %eq3A_1 : i1 to i32
    %cond3A = arith.constant 0 : i32
    %cond3A_2 = arith.cmpi ne, %convert_element_type3A, %cond3A : i32
    scf.if %cond3A_2 {
      "tpu.region"() ({
        %run_scoped3A = tpu.sem_alloc : memref<!tpu.dma_semaphore, #tpu.memory_space<semaphore_mem>>
        tpu.enqueue_dma source(%arg5 : memref<10240x64xf32, #tpu.memory_space<hbm>>) target(%arg17 : memref<10240x64xf32, #tpu.memory_space<vmem_shared>>) target_semaphore(%run_scoped3A : memref<!tpu.dma_semaphore, #tpu.memory_space<semaphore_mem>>)
        tpu.wait_dma2 semaphore(%run_scoped3A : memref<!tpu.dma_semaphore, #tpu.memory_space<semaphore_mem>>) src(%arg5 : memref<10240x64xf32, #tpu.memory_space<hbm>>) dst(%arg17 : memref<10240x64xf32, #tpu.memory_space<vmem_shared>>)
        tpu.yield
      }) : () -> ()
    } else {
    }
    %mul3A_3 = arith.constant 80 : i32
    %mul3A_4 = arith.muli %add3A, %mul3A_3 : i32
    "tpu.region"() ({
      %run_scoped3A = tpu.sem_alloc : memref<!tpu.dma_semaphore, #tpu.memory_space<semaphore_mem>>
      %dma_start3A_71 = arith.constant 0 : i32
      %dma_start3A_72 = tpu.memref_slice %arg3[%mul3A_4, %dma_start3A_71] : memref<2560x128xi32, #tpu.memory_space<hbm>> -> memref<80x128xi32, #tpu.memory_space<hbm>>
      %dma_start3A_73 = arith.constant 0 : i32
      %dma_start3A_74 = tpu.memref_slice %arg3[%mul3A_4, %dma_start3A_73] : memref<2560x128xi32, #tpu.memory_space<hbm>> -> memref<80x128xi32, #tpu.memory_space<hbm>>
      tpu.enqueue_dma source(%dma_start3A_74 : memref<80x128xi32, #tpu.memory_space<hbm>>) target(%arg7 : memref<80x128xi32, #tpu.memory_space<vmem>>) target_semaphore(%run_scoped3A : memref<!tpu.dma_semaphore, #tpu.memory_space<semaphore_mem>>)
      %dma_wait3A_75 = arith.constant 0 : i32
      %dma_wait3A_76 = tpu.memref_slice %arg3[%mul3A_4, %dma_wait3A_75] : memref<2560x128xi32, #tpu.memory_space<hbm>> -> memref<80x128xi32, #tpu.memory_space<hbm>>
      %dma_wait3A_77 = arith.constant 0 : i32
      %dma_wait3A_78 = tpu.memref_slice %arg3[%mul3A_4, %dma_wait3A_77] : memref<2560x128xi32, #tpu.memory_space<hbm>> -> memref<80x128xi32, #tpu.memory_space<hbm>>
      tpu.wait_dma2 semaphore(%run_scoped3A : memref<!tpu.dma_semaphore, #tpu.memory_space<semaphore_mem>>) src(%dma_wait3A_78 : memref<80x128xi32, #tpu.memory_space<hbm>>) dst(%arg7 : memref<80x128xi32, #tpu.memory_space<vmem>>)
      tpu.yield
    }) : () -> ()
    %mul3A_5 = arith.constant 80 : i32
    %mul3A_6 = arith.muli %add3A, %mul3A_5 : i32
    "tpu.region"() ({
      %run_scoped3A = tpu.sem_alloc : memref<!tpu.dma_semaphore, #tpu.memory_space<semaphore_mem>>
      %dma_start3A_71 = arith.constant 0 : i32
      %dma_start3A_72 = tpu.memref_slice %arg4[%mul3A_6, %dma_start3A_71] : memref<2560x128xi32, #tpu.memory_space<hbm>> -> memref<80x128xi32, #tpu.memory_space<hbm>>
      %dma_start3A_73 = arith.constant 0 : i32
      %dma_start3A_74 = tpu.memref_slice %arg4[%mul3A_6, %dma_start3A_73] : memref<2560x128xi32, #tpu.memory_space<hbm>> -> memref<80x128xi32, #tpu.memory_space<hbm>>
      tpu.enqueue_dma source(%dma_start3A_74 : memref<80x128xi32, #tpu.memory_space<hbm>>) target(%arg8 : memref<80x128xi32, #tpu.memory_space<vmem>>) target_semaphore(%run_scoped3A : memref<!tpu.dma_semaphore, #tpu.memory_space<semaphore_mem>>)
      %dma_wait3A_75 = arith.constant 0 : i32
      %dma_wait3A_76 = tpu.memref_slice %arg4[%mul3A_6, %dma_wait3A_75] : memref<2560x128xi32, #tpu.memory_space<hbm>> -> memref<80x128xi32, #tpu.memory_space<hbm>>
      %dma_wait3A_77 = arith.constant 0 : i32
      %dma_wait3A_78 = tpu.memref_slice %arg4[%mul3A_6, %dma_wait3A_77] : memref<2560x128xi32, #tpu.memory_space<hbm>> -> memref<80x128xi32, #tpu.memory_space<hbm>>
      tpu.wait_dma2 semaphore(%run_scoped3A : memref<!tpu.dma_semaphore, #tpu.memory_space<semaphore_mem>>) src(%dma_wait3A_78 : memref<80x128xi32, #tpu.memory_space<hbm>>) dst(%arg8 : memref<80x128xi32, #tpu.memory_space<vmem>>)
      tpu.yield
    }) : () -> ()
    %barrier3A = arith.constant 0 : index
    tpu.barrier barrier_id(%barrier3A)
    %dma_start3A = arith.constant 0 : i32
    %dma_start3A_7 = arith.constant 0 : i32
    %dma_start3A_8 = tpu.memref_slice %arg7[%dma_start3A, %dma_start3A_7] : memref<80x128xi32, #tpu.memory_space<vmem>> -> memref<1x128xi32, #tpu.memory_space<vmem>>
    %dma_start3A_9 = tpu.memref_squeeze %dma_start3A_8 : memref<1x128xi32, #tpu.memory_space<vmem>> -> memref<128xi32, #tpu.memory_space<vmem>>
    %dma_start3A_10 = arith.constant 0 : i32
    %dma_start3A_11 = arith.constant 0 : i32
    %dma_start3A_12 = tpu.memref_slice %arg2[%dma_start3A_10, %dma_start3A_11] : memref<10240x64xf32, #tpu.memory_space<hbm>> -> memref<10240x64xf32, #tpu.memory_space<hbm>>
    tpu.enqueue_indirect_dma source(%dma_start3A_12 : memref<10240x64xf32, #tpu.memory_space<hbm>>) target(%arg9 : memref<128x64xf32, #tpu.memory_space<vmem>>) offsets(%dma_start3A_9 : memref<128xi32, #tpu.memory_space<vmem>>) semaphore(%arg18 : memref<!tpu.dma_semaphore, #tpu.memory_space<semaphore_mem>>)
    %dma_start3A_13 = arith.constant 1 : i32
    %dma_start3A_14 = arith.constant 0 : i32
    %dma_start3A_15 = tpu.memref_slice %arg7[%dma_start3A_13, %dma_start3A_14] : memref<80x128xi32, #tpu.memory_space<vmem>> -> memref<1x128xi32, #tpu.memory_space<vmem>>
    %dma_start3A_16 = tpu.memref_squeeze %dma_start3A_15 : memref<1x128xi32, #tpu.memory_space<vmem>> -> memref<128xi32, #tpu.memory_space<vmem>>
    %dma_start3A_17 = arith.constant 0 : i32
    %dma_start3A_18 = arith.constant 0 : i32
    %dma_start3A_19 = tpu.memref_slice %arg2[%dma_start3A_17, %dma_start3A_18] : memref<10240x64xf32, #tpu.memory_space<hbm>> -> memref<10240x64xf32, #tpu.memory_space<hbm>>
    tpu.enqueue_indirect_dma source(%dma_start3A_19 : memref<10240x64xf32, #tpu.memory_space<hbm>>) target(%arg10 : memref<128x64xf32, #tpu.memory_space<vmem>>) offsets(%dma_start3A_16 : memref<128xi32, #tpu.memory_space<vmem>>) semaphore(%arg19 : memref<!tpu.dma_semaphore, #tpu.memory_space<semaphore_mem>>)
    %dma_start3A_20 = arith.constant 2 : i32
    %dma_start3A_21 = arith.constant 0 : i32
    %dma_start3A_22 = tpu.memref_slice %arg7[%dma_start3A_20, %dma_start3A_21] : memref<80x128xi32, #tpu.memory_space<vmem>> -> memref<1x128xi32, #tpu.memory_space<vmem>>
    %dma_start3A_23 = tpu.memref_squeeze %dma_start3A_22 : memref<1x128xi32, #tpu.memory_space<vmem>> -> memref<128xi32, #tpu.memory_space<vmem>>
    %dma_start3A_24 = arith.constant 0 : i32
    %dma_start3A_25 = arith.constant 0 : i32
    %dma_start3A_26 = tpu.memref_slice %arg2[%dma_start3A_24, %dma_start3A_25] : memref<10240x64xf32, #tpu.memory_space<hbm>> -> memref<10240x64xf32, #tpu.memory_space<hbm>>
    tpu.enqueue_indirect_dma source(%dma_start3A_26 : memref<10240x64xf32, #tpu.memory_space<hbm>>) target(%arg11 : memref<128x64xf32, #tpu.memory_space<vmem>>) offsets(%dma_start3A_23 : memref<128xi32, #tpu.memory_space<vmem>>) semaphore(%arg20 : memref<!tpu.dma_semaphore, #tpu.memory_space<semaphore_mem>>)
    %dma_start3A_27 = arith.constant 3 : i32
    %dma_start3A_28 = arith.constant 0 : i32
    %dma_start3A_29 = tpu.memref_slice %arg7[%dma_start3A_27, %dma_start3A_28] : memref<80x128xi32, #tpu.memory_space<vmem>> -> memref<1x128xi32, #tpu.memory_space<vmem>>
    %dma_start3A_30 = tpu.memref_squeeze %dma_start3A_29 : memref<1x128xi32, #tpu.memory_space<vmem>> -> memref<128xi32, #tpu.memory_space<vmem>>
    %dma_start3A_31 = arith.constant 0 : i32
    %dma_start3A_32 = arith.constant 0 : i32
    %dma_start3A_33 = tpu.memref_slice %arg2[%dma_start3A_31, %dma_start3A_32] : memref<10240x64xf32, #tpu.memory_space<hbm>> -> memref<10240x64xf32, #tpu.memory_space<hbm>>
    tpu.enqueue_indirect_dma source(%dma_start3A_33 : memref<10240x64xf32, #tpu.memory_space<hbm>>) target(%arg12 : memref<128x64xf32, #tpu.memory_space<vmem>>) offsets(%dma_start3A_30 : memref<128xi32, #tpu.memory_space<vmem>>) semaphore(%arg21 : memref<!tpu.dma_semaphore, #tpu.memory_space<semaphore_mem>>)
    %scan3A = arith.constant 0 : i32
    %scan3A_34 = arith.constant 0 : i32
    %scan3A_35 = arith.constant 10 : i32
    %scan3A_36 = arith.addi %scan3A_34, %scan3A_35 : i32
    %scan3A_37 = arith.constant 1 : i32
    scf.for %scan3A_71 = %scan3A_34 to %scan3A_36 step %scan3A_37  : i32 {
      %mul3A_72 = arith.constant 2 : i32
      %mul3A_73 = arith.muli %mul3A_72, %scan3A_71 : i32
      %add3A_74 = arith.constant 1 : i32
      %add3A_75 = arith.addi %mul3A_73, %add3A_74 : i32
      %mul3A_76 = arith.constant 4 : i32
      %mul3A_77 = arith.muli %add3A_75, %mul3A_76 : i32
      %add3A_78 = arith.constant 0 : i32
      %add3A_79 = arith.addi %mul3A_77, %add3A_78 : i32
      %min3A = arith.constant 79 : i32
      %min3A_80 = arith.minsi %add3A_79, %min3A : i32
      %dma_start3A_81 = arith.constant 0 : i32
      %dma_start3A_82 = tpu.memref_slice %arg7[%min3A_80, %dma_start3A_81] : memref<80x128xi32, #tpu.memory_space<vmem>> -> memref<1x128xi32, #tpu.memory_space<vmem>>
      %dma_start3A_83 = tpu.memref_squeeze %dma_start3A_82 : memref<1x128xi32, #tpu.memory_space<vmem>> -> memref<128xi32, #tpu.memory_space<vmem>>
      %dma_start3A_84 = arith.constant 0 : i32
      %dma_start3A_85 = arith.constant 0 : i32
      %dma_start3A_86 = tpu.memref_slice %arg2[%dma_start3A_84, %dma_start3A_85] : memref<10240x64xf32, #tpu.memory_space<hbm>> -> memref<10240x64xf32, #tpu.memory_space<hbm>>
      tpu.enqueue_indirect_dma source(%dma_start3A_86 : memref<10240x64xf32, #tpu.memory_space<hbm>>) target(%arg13 : memref<128x64xf32, #tpu.memory_space<vmem>>) offsets(%dma_start3A_83 : memref<128xi32, #tpu.memory_space<vmem>>) semaphore(%arg22 : memref<!tpu.dma_semaphore, #tpu.memory_space<semaphore_mem>>)
      %add3A_87 = arith.constant 1 : i32
      %add3A_88 = arith.addi %mul3A_73, %add3A_87 : i32
      %mul3A_89 = arith.constant 4 : i32
      %mul3A_90 = arith.muli %add3A_88, %mul3A_89 : i32
      %add3A_91 = arith.constant 1 : i32
      %add3A_92 = arith.addi %mul3A_90, %add3A_91 : i32
      %min3A_93 = arith.constant 79 : i32
      %min3A_94 = arith.minsi %add3A_92, %min3A_93 : i32
      %dma_start3A_95 = arith.constant 0 : i32
      %dma_start3A_96 = tpu.memref_slice %arg7[%min3A_94, %dma_start3A_95] : memref<80x128xi32, #tpu.memory_space<vmem>> -> memref<1x128xi32, #tpu.memory_space<vmem>>
      %dma_start3A_97 = tpu.memref_squeeze %dma_start3A_96 : memref<1x128xi32, #tpu.memory_space<vmem>> -> memref<128xi32, #tpu.memory_space<vmem>>
      %dma_start3A_98 = arith.constant 0 : i32
      %dma_start3A_99 = arith.constant 0 : i32
      %dma_start3A_100 = tpu.memref_slice %arg2[%dma_start3A_98, %dma_start3A_99] : memref<10240x64xf32, #tpu.memory_space<hbm>> -> memref<10240x64xf32, #tpu.memory_space<hbm>>
      tpu.enqueue_indirect_dma source(%dma_start3A_100 : memref<10240x64xf32, #tpu.memory_space<hbm>>) target(%arg14 : memref<128x64xf32, #tpu.memory_space<vmem>>) offsets(%dma_start3A_97 : memref<128xi32, #tpu.memory_space<vmem>>) semaphore(%arg23 : memref<!tpu.dma_semaphore, #tpu.memory_space<semaphore_mem>>)
      %add3A_101 = arith.constant 1 : i32
      %add3A_102 = arith.addi %mul3A_73, %add3A_101 : i32
      %mul3A_103 = arith.constant 4 : i32
      %mul3A_104 = arith.muli %add3A_102, %mul3A_103 : i32
      %add3A_105 = arith.constant 2 : i32
      %add3A_106 = arith.addi %mul3A_104, %add3A_105 : i32
      %min3A_107 = arith.constant 79 : i32
      %min3A_108 = arith.minsi %add3A_106, %min3A_107 : i32
      %dma_start3A_109 = arith.constant 0 : i32
      %dma_start3A_110 = tpu.memref_slice %arg7[%min3A_108, %dma_start3A_109] : memref<80x128xi32, #tpu.memory_space<vmem>> -> memref<1x128xi32, #tpu.memory_space<vmem>>
      %dma_start3A_111 = tpu.memref_squeeze %dma_start3A_110 : memref<1x128xi32, #tpu.memory_space<vmem>> -> memref<128xi32, #tpu.memory_space<vmem>>
      %dma_start3A_112 = arith.constant 0 : i32
      %dma_start3A_113 = arith.constant 0 : i32
      %dma_start3A_114 = tpu.memref_slice %arg2[%dma_start3A_112, %dma_start3A_113] : memref<10240x64xf32, #tpu.memory_space<hbm>> -> memref<10240x64xf32, #tpu.memory_space<hbm>>
      tpu.enqueue_indirect_dma source(%dma_start3A_114 : memref<10240x64xf32, #tpu.memory_space<hbm>>) target(%arg15 : memref<128x64xf32, #tpu.memory_space<vmem>>) offsets(%dma_start3A_111 : memref<128xi32, #tpu.memory_space<vmem>>) semaphore(%arg24 : memref<!tpu.dma_semaphore, #tpu.memory_space<semaphore_mem>>)
      %add3A_115 = arith.constant 1 : i32
      %add3A_116 = arith.addi %mul3A_73, %add3A_115 : i32
      %mul3A_117 = arith.constant 4 : i32
      %mul3A_118 = arith.muli %add3A_116, %mul3A_117 : i32
      %add3A_119 = arith.constant 3 : i32
      %add3A_120 = arith.addi %mul3A_118, %add3A_119 : i32
      %min3A_121 = arith.constant 79 : i32
      %min3A_122 = arith.minsi %add3A_120, %min3A_121 : i32
      %dma_start3A_123 = arith.constant 0 : i32
      %dma_start3A_124 = tpu.memref_slice %arg7[%min3A_122, %dma_start3A_123] : memref<80x128xi32, #tpu.memory_space<vmem>> -> memref<1x128xi32, #tpu.memory_space<vmem>>
      %dma_start3A_125 = tpu.memref_squeeze %dma_start3A_124 : memref<1x128xi32, #tpu.memory_space<vmem>> -> memref<128xi32, #tpu.memory_space<vmem>>
      %dma_start3A_126 = arith.constant 0 : i32
      %dma_start3A_127 = arith.constant 0 : i32
      %dma_start3A_128 = tpu.memref_slice %arg2[%dma_start3A_126, %dma_start3A_127] : memref<10240x64xf32, #tpu.memory_space<hbm>> -> memref<10240x64xf32, #tpu.memory_space<hbm>>
      tpu.enqueue_indirect_dma source(%dma_start3A_128 : memref<10240x64xf32, #tpu.memory_space<hbm>>) target(%arg16 : memref<128x64xf32, #tpu.memory_space<vmem>>) offsets(%dma_start3A_125 : memref<128xi32, #tpu.memory_space<vmem>>) semaphore(%arg25 : memref<!tpu.dma_semaphore, #tpu.memory_space<semaphore_mem>>)
      %mul3A_129 = arith.constant 4 : i32
      %mul3A_130 = arith.muli %mul3A_73, %mul3A_129 : i32
      %add3A_131 = arith.constant 0 : i32
      %add3A_132 = arith.addi %mul3A_130, %add3A_131 : i32
      %dma_wait3A_133 = arith.constant 0 : i32
      %dma_wait3A_134 = tpu.memref_slice %arg7[%add3A_132, %dma_wait3A_133] : memref<80x128xi32, #tpu.memory_space<vmem>> -> memref<1x128xi32, #tpu.memory_space<vmem>>
      %dma_wait3A_135 = tpu.memref_squeeze %dma_wait3A_134 : memref<1x128xi32, #tpu.memory_space<vmem>> -> memref<128xi32, #tpu.memory_space<vmem>>
      %dma_wait3A_136 = arith.constant 0 : i32
      %dma_wait3A_137 = arith.constant 0 : i32
      %dma_wait3A_138 = tpu.memref_slice %arg2[%dma_wait3A_136, %dma_wait3A_137] : memref<10240x64xf32, #tpu.memory_space<hbm>> -> memref<10240x64xf32, #tpu.memory_space<hbm>>
      tpu.wait_indirect_dma semaphore(%arg18 : memref<!tpu.dma_semaphore, #tpu.memory_space<semaphore_mem>>) src(%dma_wait3A_138 : memref<10240x64xf32, #tpu.memory_space<hbm>>) dst(%arg9 : memref<128x64xf32, #tpu.memory_space<vmem>>)
      %mul3A_139 = arith.constant 4 : i32
      %mul3A_140 = arith.muli %mul3A_73, %mul3A_139 : i32
      %add3A_141 = arith.constant 0 : i32
      %add3A_142 = arith.addi %mul3A_140, %add3A_141 : i32
      "tpu.region"() ({
        %run_scoped3A = tpu.sem_alloc : memref<!tpu.dma_semaphore, #tpu.memory_space<semaphore_mem>>
        %dma_start3A_301 = arith.constant 0 : i32
        %dma_start3A_302 = tpu.memref_slice %arg8[%add3A_142, %dma_start3A_301] : memref<80x128xi32, #tpu.memory_space<vmem>> -> memref<1x128xi32, #tpu.memory_space<vmem>>
        %dma_start3A_303 = tpu.memref_squeeze %dma_start3A_302 : memref<1x128xi32, #tpu.memory_space<vmem>> -> memref<128xi32, #tpu.memory_space<vmem>>
        %dma_start3A_304 = arith.constant 0 : i32
        %dma_start3A_305 = arith.constant 0 : i32
        %dma_start3A_306 = tpu.memref_slice %arg17[%dma_start3A_304, %dma_start3A_305] : memref<10240x64xf32, #tpu.memory_space<vmem_shared>> -> memref<10240x64xf32, #tpu.memory_space<vmem_shared>>
        tpu.enqueue_indirect_dma source(%arg9 : memref<128x64xf32, #tpu.memory_space<vmem>>) target(%dma_start3A_306 : memref<10240x64xf32, #tpu.memory_space<vmem_shared>>) offsets(%dma_start3A_303 : memref<128xi32, #tpu.memory_space<vmem>>) semaphore(%run_scoped3A : memref<!tpu.dma_semaphore, #tpu.memory_space<semaphore_mem>>) {add = true}
        %dma_wait3A_307 = arith.constant 0 : i32
        %dma_wait3A_308 = tpu.memref_slice %arg8[%add3A_142, %dma_wait3A_307] : memref<80x128xi32, #tpu.memory_space<vmem>> -> memref<1x128xi32, #tpu.memory_space<vmem>>
        %dma_wait3A_309 = tpu.memref_squeeze %dma_wait3A_308 : memref<1x128xi32, #tpu.memory_space<vmem>> -> memref<128xi32, #tpu.memory_space<vmem>>
        %dma_wait3A_310 = arith.constant 0 : i32
        %dma_wait3A_311 = arith.constant 0 : i32
        %dma_wait3A_312 = tpu.memref_slice %arg17[%dma_wait3A_310, %dma_wait3A_311] : memref<10240x64xf32, #tpu.memory_space<vmem_shared>> -> memref<10240x64xf32, #tpu.memory_space<vmem_shared>>
        tpu.wait_indirect_dma semaphore(%run_scoped3A : memref<!tpu.dma_semaphore, #tpu.memory_space<semaphore_mem>>) src(%arg9 : memref<128x64xf32, #tpu.memory_space<vmem>>) dst(%dma_wait3A_312 : memref<10240x64xf32, #tpu.memory_space<vmem_shared>>)
        tpu.yield
      }) : () -> ()
      %mul3A_143 = arith.constant 4 : i32
      %mul3A_144 = arith.muli %mul3A_73, %mul3A_143 : i32
      %add3A_145 = arith.constant 1 : i32
      %add3A_146 = arith.addi %mul3A_144, %add3A_145 : i32
      %dma_wait3A_147 = arith.constant 0 : i32
      %dma_wait3A_148 = tpu.memref_slice %arg7[%add3A_146, %dma_wait3A_147] : memref<80x128xi32, #tpu.memory_space<vmem>> -> memref<1x128xi32, #tpu.memory_space<vmem>>
      %dma_wait3A_149 = tpu.memref_squeeze %dma_wait3A_148 : memref<1x128xi32, #tpu.memory_space<vmem>> -> memref<128xi32, #tpu.memory_space<vmem>>
      %dma_wait3A_150 = arith.constant 0 : i32
      %dma_wait3A_151 = arith.constant 0 : i32
      %dma_wait3A_152 = tpu.memref_slice %arg2[%dma_wait3A_150, %dma_wait3A_151] : memref<10240x64xf32, #tpu.memory_space<hbm>> -> memref<10240x64xf32, #tpu.memory_space<hbm>>
      tpu.wait_indirect_dma semaphore(%arg19 : memref<!tpu.dma_semaphore, #tpu.memory_space<semaphore_mem>>) src(%dma_wait3A_152 : memref<10240x64xf32, #tpu.memory_space<hbm>>) dst(%arg10 : memref<128x64xf32, #tpu.memory_space<vmem>>)
      %mul3A_153 = arith.constant 4 : i32
      %mul3A_154 = arith.muli %mul3A_73, %mul3A_153 : i32
      %add3A_155 = arith.constant 1 : i32
      %add3A_156 = arith.addi %mul3A_154, %add3A_155 : i32
      "tpu.region"() ({
        %run_scoped3A = tpu.sem_alloc : memref<!tpu.dma_semaphore, #tpu.memory_space<semaphore_mem>>
        %dma_start3A_301 = arith.constant 0 : i32
        %dma_start3A_302 = tpu.memref_slice %arg8[%add3A_156, %dma_start3A_301] : memref<80x128xi32, #tpu.memory_space<vmem>> -> memref<1x128xi32, #tpu.memory_space<vmem>>
        %dma_start3A_303 = tpu.memref_squeeze %dma_start3A_302 : memref<1x128xi32, #tpu.memory_space<vmem>> -> memref<128xi32, #tpu.memory_space<vmem>>
        %dma_start3A_304 = arith.constant 0 : i32
        %dma_start3A_305 = arith.constant 0 : i32
        %dma_start3A_306 = tpu.memref_slice %arg17[%dma_start3A_304, %dma_start3A_305] : memref<10240x64xf32, #tpu.memory_space<vmem_shared>> -> memref<10240x64xf32, #tpu.memory_space<vmem_shared>>
        tpu.enqueue_indirect_dma source(%arg10 : memref<128x64xf32, #tpu.memory_space<vmem>>) target(%dma_start3A_306 : memref<10240x64xf32, #tpu.memory_space<vmem_shared>>) offsets(%dma_start3A_303 : memref<128xi32, #tpu.memory_space<vmem>>) semaphore(%run_scoped3A : memref<!tpu.dma_semaphore, #tpu.memory_space<semaphore_mem>>) {add = true}
        %dma_wait3A_307 = arith.constant 0 : i32
        %dma_wait3A_308 = tpu.memref_slice %arg8[%add3A_156, %dma_wait3A_307] : memref<80x128xi32, #tpu.memory_space<vmem>> -> memref<1x128xi32, #tpu.memory_space<vmem>>
        %dma_wait3A_309 = tpu.memref_squeeze %dma_wait3A_308 : memref<1x128xi32, #tpu.memory_space<vmem>> -> memref<128xi32, #tpu.memory_space<vmem>>
        %dma_wait3A_310 = arith.constant 0 : i32
        %dma_wait3A_311 = arith.constant 0 : i32
        %dma_wait3A_312 = tpu.memref_slice %arg17[%dma_wait3A_310, %dma_wait3A_311] : memref<10240x64xf32, #tpu.memory_space<vmem_shared>> -> memref<10240x64xf32, #tpu.memory_space<vmem_shared>>
        tpu.wait_indirect_dma semaphore(%run_scoped3A : memref<!tpu.dma_semaphore, #tpu.memory_space<semaphore_mem>>) src(%arg10 : memref<128x64xf32, #tpu.memory_space<vmem>>) dst(%dma_wait3A_312 : memref<10240x64xf32, #tpu.memory_space<vmem_shared>>)
        tpu.yield
      }) : () -> ()
      %mul3A_157 = arith.constant 4 : i32
      %mul3A_158 = arith.muli %mul3A_73, %mul3A_157 : i32
      %add3A_159 = arith.constant 2 : i32
      %add3A_160 = arith.addi %mul3A_158, %add3A_159 : i32
      %dma_wait3A_161 = arith.constant 0 : i32
      %dma_wait3A_162 = tpu.memref_slice %arg7[%add3A_160, %dma_wait3A_161] : memref<80x128xi32, #tpu.memory_space<vmem>> -> memref<1x128xi32, #tpu.memory_space<vmem>>
      %dma_wait3A_163 = tpu.memref_squeeze %dma_wait3A_162 : memref<1x128xi32, #tpu.memory_space<vmem>> -> memref<128xi32, #tpu.memory_space<vmem>>
      %dma_wait3A_164 = arith.constant 0 : i32
      %dma_wait3A_165 = arith.constant 0 : i32
      %dma_wait3A_166 = tpu.memref_slice %arg2[%dma_wait3A_164, %dma_wait3A_165] : memref<10240x64xf32, #tpu.memory_space<hbm>> -> memref<10240x64xf32, #tpu.memory_space<hbm>>
      tpu.wait_indirect_dma semaphore(%arg20 : memref<!tpu.dma_semaphore, #tpu.memory_space<semaphore_mem>>) src(%dma_wait3A_166 : memref<10240x64xf32, #tpu.memory_space<hbm>>) dst(%arg11 : memref<128x64xf32, #tpu.memory_space<vmem>>)
      %mul3A_167 = arith.constant 4 : i32
      %mul3A_168 = arith.muli %mul3A_73, %mul3A_167 : i32
      %add3A_169 = arith.constant 2 : i32
      %add3A_170 = arith.addi %mul3A_168, %add3A_169 : i32
      "tpu.region"() ({
        %run_scoped3A = tpu.sem_alloc : memref<!tpu.dma_semaphore, #tpu.memory_space<semaphore_mem>>
        %dma_start3A_301 = arith.constant 0 : i32
        %dma_start3A_302 = tpu.memref_slice %arg8[%add3A_170, %dma_start3A_301] : memref<80x128xi32, #tpu.memory_space<vmem>> -> memref<1x128xi32, #tpu.memory_space<vmem>>
        %dma_start3A_303 = tpu.memref_squeeze %dma_start3A_302 : memref<1x128xi32, #tpu.memory_space<vmem>> -> memref<128xi32, #tpu.memory_space<vmem>>
        %dma_start3A_304 = arith.constant 0 : i32
        %dma_start3A_305 = arith.constant 0 : i32
        %dma_start3A_306 = tpu.memref_slice %arg17[%dma_start3A_304, %dma_start3A_305] : memref<10240x64xf32, #tpu.memory_space<vmem_shared>> -> memref<10240x64xf32, #tpu.memory_space<vmem_shared>>
        tpu.enqueue_indirect_dma source(%arg11 : memref<128x64xf32, #tpu.memory_space<vmem>>) target(%dma_start3A_306 : memref<10240x64xf32, #tpu.memory_space<vmem_shared>>) offsets(%dma_start3A_303 : memref<128xi32, #tpu.memory_space<vmem>>) semaphore(%run_scoped3A : memref<!tpu.dma_semaphore, #tpu.memory_space<semaphore_mem>>) {add = true}
        %dma_wait3A_307 = arith.constant 0 : i32
        %dma_wait3A_308 = tpu.memref_slice %arg8[%add3A_170, %dma_wait3A_307] : memref<80x128xi32, #tpu.memory_space<vmem>> -> memref<1x128xi32, #tpu.memory_space<vmem>>
        %dma_wait3A_309 = tpu.memref_squeeze %dma_wait3A_308 : memref<1x128xi32, #tpu.memory_space<vmem>> -> memref<128xi32, #tpu.memory_space<vmem>>
        %dma_wait3A_310 = arith.constant 0 : i32
        %dma_wait3A_311 = arith.constant 0 : i32
        %dma_wait3A_312 = tpu.memref_slice %arg17[%dma_wait3A_310, %dma_wait3A_311] : memref<10240x64xf32, #tpu.memory_space<vmem_shared>> -> memref<10240x64xf32, #tpu.memory_space<vmem_shared>>
        tpu.wait_indirect_dma semaphore(%run_scoped3A : memref<!tpu.dma_semaphore, #tpu.memory_space<semaphore_mem>>) src(%arg11 : memref<128x64xf32, #tpu.memory_space<vmem>>) dst(%dma_wait3A_312 : memref<10240x64xf32, #tpu.memory_space<vmem_shared>>)
        tpu.yield
      }) : () -> ()
      %mul3A_171 = arith.constant 4 : i32
      %mul3A_172 = arith.muli %mul3A_73, %mul3A_171 : i32
      %add3A_173 = arith.constant 3 : i32
      %add3A_174 = arith.addi %mul3A_172, %add3A_173 : i32
      %dma_wait3A_175 = arith.constant 0 : i32
      %dma_wait3A_176 = tpu.memref_slice %arg7[%add3A_174, %dma_wait3A_175] : memref<80x128xi32, #tpu.memory_space<vmem>> -> memref<1x128xi32, #tpu.memory_space<vmem>>
      %dma_wait3A_177 = tpu.memref_squeeze %dma_wait3A_176 : memref<1x128xi32, #tpu.memory_space<vmem>> -> memref<128xi32, #tpu.memory_space<vmem>>
      %dma_wait3A_178 = arith.constant 0 : i32
      %dma_wait3A_179 = arith.constant 0 : i32
      %dma_wait3A_180 = tpu.memref_slice %arg2[%dma_wait3A_178, %dma_wait3A_179] : memref<10240x64xf32, #tpu.memory_space<hbm>> -> memref<10240x64xf32, #tpu.memory_space<hbm>>
      tpu.wait_indirect_dma semaphore(%arg21 : memref<!tpu.dma_semaphore, #tpu.memory_space<semaphore_mem>>) src(%dma_wait3A_180 : memref<10240x64xf32, #tpu.memory_space<hbm>>) dst(%arg12 : memref<128x64xf32, #tpu.memory_space<vmem>>)
      %mul3A_181 = arith.constant 4 : i32
      %mul3A_182 = arith.muli %mul3A_73, %mul3A_181 : i32
      %add3A_183 = arith.constant 3 : i32
      %add3A_184 = arith.addi %mul3A_182, %add3A_183 : i32
      "tpu.region"() ({
        %run_scoped3A = tpu.sem_alloc : memref<!tpu.dma_semaphore, #tpu.memory_space<semaphore_mem>>
        %dma_start3A_301 = arith.constant 0 : i32
        %dma_start3A_302 = tpu.memref_slice %arg8[%add3A_184, %dma_start3A_301] : memref<80x128xi32, #tpu.memory_space<vmem>> -> memref<1x128xi32, #tpu.memory_space<vmem>>
        %dma_start3A_303 = tpu.memref_squeeze %dma_start3A_302 : memref<1x128xi32, #tpu.memory_space<vmem>> -> memref<128xi32, #tpu.memory_space<vmem>>
        %dma_start3A_304 = arith.constant 0 : i32
        %dma_start3A_305 = arith.constant 0 : i32
        %dma_start3A_306 = tpu.memref_slice %arg17[%dma_start3A_304, %dma_start3A_305] : memref<10240x64xf32, #tpu.memory_space<vmem_shared>> -> memref<10240x64xf32, #tpu.memory_space<vmem_shared>>
        tpu.enqueue_indirect_dma source(%arg12 : memref<128x64xf32, #tpu.memory_space<vmem>>) target(%dma_start3A_306 : memref<10240x64xf32, #tpu.memory_space<vmem_shared>>) offsets(%dma_start3A_303 : memref<128xi32, #tpu.memory_space<vmem>>) semaphore(%run_scoped3A : memref<!tpu.dma_semaphore, #tpu.memory_space<semaphore_mem>>) {add = true}
        %dma_wait3A_307 = arith.constant 0 : i32
        %dma_wait3A_308 = tpu.memref_slice %arg8[%add3A_184, %dma_wait3A_307] : memref<80x128xi32, #tpu.memory_space<vmem>> -> memref<1x128xi32, #tpu.memory_space<vmem>>
        %dma_wait3A_309 = tpu.memref_squeeze %dma_wait3A_308 : memref<1x128xi32, #tpu.memory_space<vmem>> -> memref<128xi32, #tpu.memory_space<vmem>>
        %dma_wait3A_310 = arith.constant 0 : i32
        %dma_wait3A_311 = arith.constant 0 : i32
        %dma_wait3A_312 = tpu.memref_slice %arg17[%dma_wait3A_310, %dma_wait3A_311] : memref<10240x64xf32, #tpu.memory_space<vmem_shared>> -> memref<10240x64xf32, #tpu.memory_space<vmem_shared>>
        tpu.wait_indirect_dma semaphore(%run_scoped3A : memref<!tpu.dma_semaphore, #tpu.memory_space<semaphore_mem>>) src(%arg12 : memref<128x64xf32, #tpu.memory_space<vmem>>) dst(%dma_wait3A_312 : memref<10240x64xf32, #tpu.memory_space<vmem_shared>>)
        tpu.yield
      }) : () -> ()
      %mul3A_185 = arith.constant 2 : i32
      %mul3A_186 = arith.muli %mul3A_185, %scan3A_71 : i32
      %add3A_187 = arith.constant 1 : i32
      %add3A_188 = arith.addi %mul3A_186, %add3A_187 : i32
      %add3A_189 = arith.constant 1 : i32
      %add3A_190 = arith.addi %add3A_188, %add3A_189 : i32
      %mul3A_191 = arith.constant 4 : i32
      %mul3A_192 = arith.muli %add3A_190, %mul3A_191 : i32
      %add3A_193 = arith.constant 0 : i32
      %add3A_194 = arith.addi %mul3A_192, %add3A_193 : i32
      %min3A_195 = arith.constant 79 : i32
      %min3A_196 = arith.minsi %add3A_194, %min3A_195 : i32
      %dma_start3A_197 = arith.constant 0 : i32
      %dma_start3A_198 = tpu.memref_slice %arg7[%min3A_196, %dma_start3A_197] : memref<80x128xi32, #tpu.memory_space<vmem>> -> memref<1x128xi32, #tpu.memory_space<vmem>>
      %dma_start3A_199 = tpu.memref_squeeze %dma_start3A_198 : memref<1x128xi32, #tpu.memory_space<vmem>> -> memref<128xi32, #tpu.memory_space<vmem>>
      %dma_start3A_200 = arith.constant 0 : i32
      %dma_start3A_201 = arith.constant 0 : i32
      %dma_start3A_202 = tpu.memref_slice %arg2[%dma_start3A_200, %dma_start3A_201] : memref<10240x64xf32, #tpu.memory_space<hbm>> -> memref<10240x64xf32, #tpu.memory_space<hbm>>
      tpu.enqueue_indirect_dma source(%dma_start3A_202 : memref<10240x64xf32, #tpu.memory_space<hbm>>) target(%arg9 : memref<128x64xf32, #tpu.memory_space<vmem>>) offsets(%dma_start3A_199 : memref<128xi32, #tpu.memory_space<vmem>>) semaphore(%arg18 : memref<!tpu.dma_semaphore, #tpu.memory_space<semaphore_mem>>)
      %add3A_203 = arith.constant 1 : i32
      %add3A_204 = arith.addi %add3A_188, %add3A_203 : i32
      %mul3A_205 = arith.constant 4 : i32
      %mul3A_206 = arith.muli %add3A_204, %mul3A_205 : i32
      %add3A_207 = arith.constant 1 : i32
      %add3A_208 = arith.addi %mul3A_206, %add3A_207 : i32
      %min3A_209 = arith.constant 79 : i32
      %min3A_210 = arith.minsi %add3A_208, %min3A_209 : i32
      %dma_start3A_211 = arith.constant 0 : i32
      %dma_start3A_212 = tpu.memref_slice %arg7[%min3A_210, %dma_start3A_211] : memref<80x128xi32, #tpu.memory_space<vmem>> -> memref<1x128xi32, #tpu.memory_space<vmem>>
      %dma_start3A_213 = tpu.memref_squeeze %dma_start3A_212 : memref<1x128xi32, #tpu.memory_space<vmem>> -> memref<128xi32, #tpu.memory_space<vmem>>
      %dma_start3A_214 = arith.constant 0 : i32
      %dma_start3A_215 = arith.constant 0 : i32
      %dma_start3A_216 = tpu.memref_slice %arg2[%dma_start3A_214, %dma_start3A_215] : memref<10240x64xf32, #tpu.memory_space<hbm>> -> memref<10240x64xf32, #tpu.memory_space<hbm>>
      tpu.enqueue_indirect_dma source(%dma_start3A_216 : memref<10240x64xf32, #tpu.memory_space<hbm>>) target(%arg10 : memref<128x64xf32, #tpu.memory_space<vmem>>) offsets(%dma_start3A_213 : memref<128xi32, #tpu.memory_space<vmem>>) semaphore(%arg19 : memref<!tpu.dma_semaphore, #tpu.memory_space<semaphore_mem>>)
      %add3A_217 = arith.constant 1 : i32
      %add3A_218 = arith.addi %add3A_188, %add3A_217 : i32
      %mul3A_219 = arith.constant 4 : i32
      %mul3A_220 = arith.muli %add3A_218, %mul3A_219 : i32
      %add3A_221 = arith.constant 2 : i32
      %add3A_222 = arith.addi %mul3A_220, %add3A_221 : i32
      %min3A_223 = arith.constant 79 : i32
      %min3A_224 = arith.minsi %add3A_222, %min3A_223 : i32
      %dma_start3A_225 = arith.constant 0 : i32
      %dma_start3A_226 = tpu.memref_slice %arg7[%min3A_224, %dma_start3A_225] : memref<80x128xi32, #tpu.memory_space<vmem>> -> memref<1x128xi32, #tpu.memory_space<vmem>>
      %dma_start3A_227 = tpu.memref_squeeze %dma_start3A_226 : memref<1x128xi32, #tpu.memory_space<vmem>> -> memref<128xi32, #tpu.memory_space<vmem>>
      %dma_start3A_228 = arith.constant 0 : i32
      %dma_start3A_229 = arith.constant 0 : i32
      %dma_start3A_230 = tpu.memref_slice %arg2[%dma_start3A_228, %dma_start3A_229] : memref<10240x64xf32, #tpu.memory_space<hbm>> -> memref<10240x64xf32, #tpu.memory_space<hbm>>
      tpu.enqueue_indirect_dma source(%dma_start3A_230 : memref<10240x64xf32, #tpu.memory_space<hbm>>) target(%arg11 : memref<128x64xf32, #tpu.memory_space<vmem>>) offsets(%dma_start3A_227 : memref<128xi32, #tpu.memory_space<vmem>>) semaphore(%arg20 : memref<!tpu.dma_semaphore, #tpu.memory_space<semaphore_mem>>)
      %add3A_231 = arith.constant 1 : i32
      %add3A_232 = arith.addi %add3A_188, %add3A_231 : i32
      %mul3A_233 = arith.constant 4 : i32
      %mul3A_234 = arith.muli %add3A_232, %mul3A_233 : i32
      %add3A_235 = arith.constant 3 : i32
      %add3A_236 = arith.addi %mul3A_234, %add3A_235 : i32
      %min3A_237 = arith.constant 79 : i32
      %min3A_238 = arith.minsi %add3A_236, %min3A_237 : i32
      %dma_start3A_239 = arith.constant 0 : i32
      %dma_start3A_240 = tpu.memref_slice %arg7[%min3A_238, %dma_start3A_239] : memref<80x128xi32, #tpu.memory_space<vmem>> -> memref<1x128xi32, #tpu.memory_space<vmem>>
      %dma_start3A_241 = tpu.memref_squeeze %dma_start3A_240 : memref<1x128xi32, #tpu.memory_space<vmem>> -> memref<128xi32, #tpu.memory_space<vmem>>
      %dma_start3A_242 = arith.constant 0 : i32
      %dma_start3A_243 = arith.constant 0 : i32
      %dma_start3A_244 = tpu.memref_slice %arg2[%dma_start3A_242, %dma_start3A_243] : memref<10240x64xf32, #tpu.memory_space<hbm>> -> memref<10240x64xf32, #tpu.memory_space<hbm>>
      tpu.enqueue_indirect_dma source(%dma_start3A_244 : memref<10240x64xf32, #tpu.memory_space<hbm>>) target(%arg12 : memref<128x64xf32, #tpu.memory_space<vmem>>) offsets(%dma_start3A_241 : memref<128xi32, #tpu.memory_space<vmem>>) semaphore(%arg21 : memref<!tpu.dma_semaphore, #tpu.memory_space<semaphore_mem>>)
      %mul3A_245 = arith.constant 4 : i32
      %mul3A_246 = arith.muli %add3A_188, %mul3A_245 : i32
      %add3A_247 = arith.constant 0 : i32
      %add3A_248 = arith.addi %mul3A_246, %add3A_247 : i32
      %dma_wait3A_249 = arith.constant 0 : i32
      %dma_wait3A_250 = tpu.memref_slice %arg7[%add3A_248, %dma_wait3A_249] : memref<80x128xi32, #tpu.memory_space<vmem>> -> memref<1x128xi32, #tpu.memory_space<vmem>>
      %dma_wait3A_251 = tpu.memref_squeeze %dma_wait3A_250 : memref<1x128xi32, #tpu.memory_space<vmem>> -> memref<128xi32, #tpu.memory_space<vmem>>
      %dma_wait3A_252 = arith.constant 0 : i32
      %dma_wait3A_253 = arith.constant 0 : i32
      %dma_wait3A_254 = tpu.memref_slice %arg2[%dma_wait3A_252, %dma_wait3A_253] : memref<10240x64xf32, #tpu.memory_space<hbm>> -> memref<10240x64xf32, #tpu.memory_space<hbm>>
      tpu.wait_indirect_dma semaphore(%arg22 : memref<!tpu.dma_semaphore, #tpu.memory_space<semaphore_mem>>) src(%dma_wait3A_254 : memref<10240x64xf32, #tpu.memory_space<hbm>>) dst(%arg13 : memref<128x64xf32, #tpu.memory_space<vmem>>)
      %mul3A_255 = arith.constant 4 : i32
      %mul3A_256 = arith.muli %add3A_188, %mul3A_255 : i32
      %add3A_257 = arith.constant 0 : i32
      %add3A_258 = arith.addi %mul3A_256, %add3A_257 : i32
      "tpu.region"() ({
        %run_scoped3A = tpu.sem_alloc : memref<!tpu.dma_semaphore, #tpu.memory_space<semaphore_mem>>
        %dma_start3A_301 = arith.constant 0 : i32
        %dma_start3A_302 = tpu.memref_slice %arg8[%add3A_258, %dma_start3A_301] : memref<80x128xi32, #tpu.memory_space<vmem>> -> memref<1x128xi32, #tpu.memory_space<vmem>>
        %dma_start3A_303 = tpu.memref_squeeze %dma_start3A_302 : memref<1x128xi32, #tpu.memory_space<vmem>> -> memref<128xi32, #tpu.memory_space<vmem>>
        %dma_start3A_304 = arith.constant 0 : i32
        %dma_start3A_305 = arith.constant 0 : i32
        %dma_start3A_306 = tpu.memref_slice %arg17[%dma_start3A_304, %dma_start3A_305] : memref<10240x64xf32, #tpu.memory_space<vmem_shared>> -> memref<10240x64xf32, #tpu.memory_space<vmem_shared>>
        tpu.enqueue_indirect_dma source(%arg13 : memref<128x64xf32, #tpu.memory_space<vmem>>) target(%dma_start3A_306 : memref<10240x64xf32, #tpu.memory_space<vmem_shared>>) offsets(%dma_start3A_303 : memref<128xi32, #tpu.memory_space<vmem>>) semaphore(%run_scoped3A : memref<!tpu.dma_semaphore, #tpu.memory_space<semaphore_mem>>) {add = true}
        %dma_wait3A_307 = arith.constant 0 : i32
        %dma_wait3A_308 = tpu.memref_slice %arg8[%add3A_258, %dma_wait3A_307] : memref<80x128xi32, #tpu.memory_space<vmem>> -> memref<1x128xi32, #tpu.memory_space<vmem>>
        %dma_wait3A_309 = tpu.memref_squeeze %dma_wait3A_308 : memref<1x128xi32, #tpu.memory_space<vmem>> -> memref<128xi32, #tpu.memory_space<vmem>>
        %dma_wait3A_310 = arith.constant 0 : i32
        %dma_wait3A_311 = arith.constant 0 : i32
        %dma_wait3A_312 = tpu.memref_slice %arg17[%dma_wait3A_310, %dma_wait3A_311] : memref<10240x64xf32, #tpu.memory_space<vmem_shared>> -> memref<10240x64xf32, #tpu.memory_space<vmem_shared>>
        tpu.wait_indirect_dma semaphore(%run_scoped3A : memref<!tpu.dma_semaphore, #tpu.memory_space<semaphore_mem>>) src(%arg13 : memref<128x64xf32, #tpu.memory_space<vmem>>) dst(%dma_wait3A_312 : memref<10240x64xf32, #tpu.memory_space<vmem_shared>>)
        tpu.yield
      }) : () -> ()
      %mul3A_259 = arith.constant 4 : i32
      %mul3A_260 = arith.muli %add3A_188, %mul3A_259 : i32
      %add3A_261 = arith.constant 1 : i32
      %add3A_262 = arith.addi %mul3A_260, %add3A_261 : i32
      %dma_wait3A_263 = arith.constant 0 : i32
      %dma_wait3A_264 = tpu.memref_slice %arg7[%add3A_262, %dma_wait3A_263] : memref<80x128xi32, #tpu.memory_space<vmem>> -> memref<1x128xi32, #tpu.memory_space<vmem>>
      %dma_wait3A_265 = tpu.memref_squeeze %dma_wait3A_264 : memref<1x128xi32, #tpu.memory_space<vmem>> -> memref<128xi32, #tpu.memory_space<vmem>>
      %dma_wait3A_266 = arith.constant 0 : i32
      %dma_wait3A_267 = arith.constant 0 : i32
      %dma_wait3A_268 = tpu.memref_slice %arg2[%dma_wait3A_266, %dma_wait3A_267] : memref<10240x64xf32, #tpu.memory_space<hbm>> -> memref<10240x64xf32, #tpu.memory_space<hbm>>
      tpu.wait_indirect_dma semaphore(%arg23 : memref<!tpu.dma_semaphore, #tpu.memory_space<semaphore_mem>>) src(%dma_wait3A_268 : memref<10240x64xf32, #tpu.memory_space<hbm>>) dst(%arg14 : memref<128x64xf32, #tpu.memory_space<vmem>>)
      %mul3A_269 = arith.constant 4 : i32
      %mul3A_270 = arith.muli %add3A_188, %mul3A_269 : i32
      %add3A_271 = arith.constant 1 : i32
      %add3A_272 = arith.addi %mul3A_270, %add3A_271 : i32
      "tpu.region"() ({
        %run_scoped3A = tpu.sem_alloc : memref<!tpu.dma_semaphore, #tpu.memory_space<semaphore_mem>>
        %dma_start3A_301 = arith.constant 0 : i32
        %dma_start3A_302 = tpu.memref_slice %arg8[%add3A_272, %dma_start3A_301] : memref<80x128xi32, #tpu.memory_space<vmem>> -> memref<1x128xi32, #tpu.memory_space<vmem>>
        %dma_start3A_303 = tpu.memref_squeeze %dma_start3A_302 : memref<1x128xi32, #tpu.memory_space<vmem>> -> memref<128xi32, #tpu.memory_space<vmem>>
        %dma_start3A_304 = arith.constant 0 : i32
        %dma_start3A_305 = arith.constant 0 : i32
        %dma_start3A_306 = tpu.memref_slice %arg17[%dma_start3A_304, %dma_start3A_305] : memref<10240x64xf32, #tpu.memory_space<vmem_shared>> -> memref<10240x64xf32, #tpu.memory_space<vmem_shared>>
        tpu.enqueue_indirect_dma source(%arg14 : memref<128x64xf32, #tpu.memory_space<vmem>>) target(%dma_start3A_306 : memref<10240x64xf32, #tpu.memory_space<vmem_shared>>) offsets(%dma_start3A_303 : memref<128xi32, #tpu.memory_space<vmem>>) semaphore(%run_scoped3A : memref<!tpu.dma_semaphore, #tpu.memory_space<semaphore_mem>>) {add = true}
        %dma_wait3A_307 = arith.constant 0 : i32
        %dma_wait3A_308 = tpu.memref_slice %arg8[%add3A_272, %dma_wait3A_307] : memref<80x128xi32, #tpu.memory_space<vmem>> -> memref<1x128xi32, #tpu.memory_space<vmem>>
        %dma_wait3A_309 = tpu.memref_squeeze %dma_wait3A_308 : memref<1x128xi32, #tpu.memory_space<vmem>> -> memref<128xi32, #tpu.memory_space<vmem>>
        %dma_wait3A_310 = arith.constant 0 : i32
        %dma_wait3A_311 = arith.constant 0 : i32
        %dma_wait3A_312 = tpu.memref_slice %arg17[%dma_wait3A_310, %dma_wait3A_311] : memref<10240x64xf32, #tpu.memory_space<vmem_shared>> -> memref<10240x64xf32, #tpu.memory_space<vmem_shared>>
        tpu.wait_indirect_dma semaphore(%run_scoped3A : memref<!tpu.dma_semaphore, #tpu.memory_space<semaphore_mem>>) src(%arg14 : memref<128x64xf32, #tpu.memory_space<vmem>>) dst(%dma_wait3A_312 : memref<10240x64xf32, #tpu.memory_space<vmem_shared>>)
        tpu.yield
      }) : () -> ()
      %mul3A_273 = arith.constant 4 : i32
      %mul3A_274 = arith.muli %add3A_188, %mul3A_273 : i32
      %add3A_275 = arith.constant 2 : i32
      %add3A_276 = arith.addi %mul3A_274, %add3A_275 : i32
      %dma_wait3A_277 = arith.constant 0 : i32
      %dma_wait3A_278 = tpu.memref_slice %arg7[%add3A_276, %dma_wait3A_277] : memref<80x128xi32, #tpu.memory_space<vmem>> -> memref<1x128xi32, #tpu.memory_space<vmem>>
      %dma_wait3A_279 = tpu.memref_squeeze %dma_wait3A_278 : memref<1x128xi32, #tpu.memory_space<vmem>> -> memref<128xi32, #tpu.memory_space<vmem>>
      %dma_wait3A_280 = arith.constant 0 : i32
      %dma_wait3A_281 = arith.constant 0 : i32
      %dma_wait3A_282 = tpu.memref_slice %arg2[%dma_wait3A_280, %dma_wait3A_281] : memref<10240x64xf32, #tpu.memory_space<hbm>> -> memref<10240x64xf32, #tpu.memory_space<hbm>>
      tpu.wait_indirect_dma semaphore(%arg24 : memref<!tpu.dma_semaphore, #tpu.memory_space<semaphore_mem>>) src(%dma_wait3A_282 : memref<10240x64xf32, #tpu.memory_space<hbm>>) dst(%arg15 : memref<128x64xf32, #tpu.memory_space<vmem>>)
      %mul3A_283 = arith.constant 4 : i32
      %mul3A_284 = arith.muli %add3A_188, %mul3A_283 : i32
      %add3A_285 = arith.constant 2 : i32
      %add3A_286 = arith.addi %mul3A_284, %add3A_285 : i32
      "tpu.region"() ({
        %run_scoped3A = tpu.sem_alloc : memref<!tpu.dma_semaphore, #tpu.memory_space<semaphore_mem>>
        %dma_start3A_301 = arith.constant 0 : i32
        %dma_start3A_302 = tpu.memref_slice %arg8[%add3A_286, %dma_start3A_301] : memref<80x128xi32, #tpu.memory_space<vmem>> -> memref<1x128xi32, #tpu.memory_space<vmem>>
        %dma_start3A_303 = tpu.memref_squeeze %dma_start3A_302 : memref<1x128xi32, #tpu.memory_space<vmem>> -> memref<128xi32, #tpu.memory_space<vmem>>
        %dma_start3A_304 = arith.constant 0 : i32
        %dma_start3A_305 = arith.constant 0 : i32
        %dma_start3A_306 = tpu.memref_slice %arg17[%dma_start3A_304, %dma_start3A_305] : memref<10240x64xf32, #tpu.memory_space<vmem_shared>> -> memref<10240x64xf32, #tpu.memory_space<vmem_shared>>
        tpu.enqueue_indirect_dma source(%arg15 : memref<128x64xf32, #tpu.memory_space<vmem>>) target(%dma_start3A_306 : memref<10240x64xf32, #tpu.memory_space<vmem_shared>>) offsets(%dma_start3A_303 : memref<128xi32, #tpu.memory_space<vmem>>) semaphore(%run_scoped3A : memref<!tpu.dma_semaphore, #tpu.memory_space<semaphore_mem>>) {add = true}
        %dma_wait3A_307 = arith.constant 0 : i32
        %dma_wait3A_308 = tpu.memref_slice %arg8[%add3A_286, %dma_wait3A_307] : memref<80x128xi32, #tpu.memory_space<vmem>> -> memref<1x128xi32, #tpu.memory_space<vmem>>
        %dma_wait3A_309 = tpu.memref_squeeze %dma_wait3A_308 : memref<1x128xi32, #tpu.memory_space<vmem>> -> memref<128xi32, #tpu.memory_space<vmem>>
        %dma_wait3A_310 = arith.constant 0 : i32
        %dma_wait3A_311 = arith.constant 0 : i32
        %dma_wait3A_312 = tpu.memref_slice %arg17[%dma_wait3A_310, %dma_wait3A_311] : memref<10240x64xf32, #tpu.memory_space<vmem_shared>> -> memref<10240x64xf32, #tpu.memory_space<vmem_shared>>
        tpu.wait_indirect_dma semaphore(%run_scoped3A : memref<!tpu.dma_semaphore, #tpu.memory_space<semaphore_mem>>) src(%arg15 : memref<128x64xf32, #tpu.memory_space<vmem>>) dst(%dma_wait3A_312 : memref<10240x64xf32, #tpu.memory_space<vmem_shared>>)
        tpu.yield
      }) : () -> ()
      %mul3A_287 = arith.constant 4 : i32
      %mul3A_288 = arith.muli %add3A_188, %mul3A_287 : i32
      %add3A_289 = arith.constant 3 : i32
      %add3A_290 = arith.addi %mul3A_288, %add3A_289 : i32
      %dma_wait3A_291 = arith.constant 0 : i32
      %dma_wait3A_292 = tpu.memref_slice %arg7[%add3A_290, %dma_wait3A_291] : memref<80x128xi32, #tpu.memory_space<vmem>> -> memref<1x128xi32, #tpu.memory_space<vmem>>
      %dma_wait3A_293 = tpu.memref_squeeze %dma_wait3A_292 : memref<1x128xi32, #tpu.memory_space<vmem>> -> memref<128xi32, #tpu.memory_space<vmem>>
      %dma_wait3A_294 = arith.constant 0 : i32
      %dma_wait3A_295 = arith.constant 0 : i32
      %dma_wait3A_296 = tpu.memref_slice %arg2[%dma_wait3A_294, %dma_wait3A_295] : memref<10240x64xf32, #tpu.memory_space<hbm>> -> memref<10240x64xf32, #tpu.memory_space<hbm>>
      tpu.wait_indirect_dma semaphore(%arg25 : memref<!tpu.dma_semaphore, #tpu.memory_space<semaphore_mem>>) src(%dma_wait3A_296 : memref<10240x64xf32, #tpu.memory_space<hbm>>) dst(%arg16 : memref<128x64xf32, #tpu.memory_space<vmem>>)
      %mul3A_297 = arith.constant 4 : i32
      %mul3A_298 = arith.muli %add3A_188, %mul3A_297 : i32
      %add3A_299 = arith.constant 3 : i32
      %add3A_300 = arith.addi %mul3A_298, %add3A_299 : i32
      "tpu.region"() ({
        %run_scoped3A = tpu.sem_alloc : memref<!tpu.dma_semaphore, #tpu.memory_space<semaphore_mem>>
        %dma_start3A_301 = arith.constant 0 : i32
        %dma_start3A_302 = tpu.memref_slice %arg8[%add3A_300, %dma_start3A_301] : memref<80x128xi32, #tpu.memory_space<vmem>> -> memref<1x128xi32, #tpu.memory_space<vmem>>
        %dma_start3A_303 = tpu.memref_squeeze %dma_start3A_302 : memref<1x128xi32, #tpu.memory_space<vmem>> -> memref<128xi32, #tpu.memory_space<vmem>>
        %dma_start3A_304 = arith.constant 0 : i32
        %dma_start3A_305 = arith.constant 0 : i32
        %dma_start3A_306 = tpu.memref_slice %arg17[%dma_start3A_304, %dma_start3A_305] : memref<10240x64xf32, #tpu.memory_space<vmem_shared>> -> memref<10240x64xf32, #tpu.memory_space<vmem_shared>>
        tpu.enqueue_indirect_dma source(%arg16 : memref<128x64xf32, #tpu.memory_space<vmem>>) target(%dma_start3A_306 : memref<10240x64xf32, #tpu.memory_space<vmem_shared>>) offsets(%dma_start3A_303 : memref<128xi32, #tpu.memory_space<vmem>>) semaphore(%run_scoped3A : memref<!tpu.dma_semaphore, #tpu.memory_space<semaphore_mem>>) {add = true}
        %dma_wait3A_307 = arith.constant 0 : i32
        %dma_wait3A_308 = tpu.memref_slice %arg8[%add3A_300, %dma_wait3A_307] : memref<80x128xi32, #tpu.memory_space<vmem>> -> memref<1x128xi32, #tpu.memory_space<vmem>>
        %dma_wait3A_309 = tpu.memref_squeeze %dma_wait3A_308 : memref<1x128xi32, #tpu.memory_space<vmem>> -> memref<128xi32, #tpu.memory_space<vmem>>
        %dma_wait3A_310 = arith.constant 0 : i32
        %dma_wait3A_311 = arith.constant 0 : i32
        %dma_wait3A_312 = tpu.memref_slice %arg17[%dma_wait3A_310, %dma_wait3A_311] : memref<10240x64xf32, #tpu.memory_space<vmem_shared>> -> memref<10240x64xf32, #tpu.memory_space<vmem_shared>>
        tpu.wait_indirect_dma semaphore(%run_scoped3A : memref<!tpu.dma_semaphore, #tpu.memory_space<semaphore_mem>>) src(%arg16 : memref<128x64xf32, #tpu.memory_space<vmem>>) dst(%dma_wait3A_312 : memref<10240x64xf32, #tpu.memory_space<vmem_shared>>)
        tpu.yield
      }) : () -> ()
    }
    %scan3A_38 = arith.constant 10 : i32
    %dma_wait3A = arith.constant 79 : i32
    %dma_wait3A_39 = arith.constant 0 : i32
    %dma_wait3A_40 = tpu.memref_slice %arg7[%dma_wait3A, %dma_wait3A_39] : memref<80x128xi32, #tpu.memory_space<vmem>> -> memref<1x128xi32, #tpu.memory_space<vmem>>
    %dma_wait3A_41 = tpu.memref_squeeze %dma_wait3A_40 : memref<1x128xi32, #tpu.memory_space<vmem>> -> memref<128xi32, #tpu.memory_space<vmem>>
    %dma_wait3A_42 = arith.constant 0 : i32
    %dma_wait3A_43 = arith.constant 0 : i32
    %dma_wait3A_44 = tpu.memref_slice %arg2[%dma_wait3A_42, %dma_wait3A_43] : memref<10240x64xf32, #tpu.memory_space<hbm>> -> memref<10240x64xf32, #tpu.memory_space<hbm>>
    tpu.wait_indirect_dma semaphore(%arg18 : memref<!tpu.dma_semaphore, #tpu.memory_space<semaphore_mem>>) src(%dma_wait3A_44 : memref<10240x64xf32, #tpu.memory_space<hbm>>) dst(%arg9 : memref<128x64xf32, #tpu.memory_space<vmem>>)
    %dma_wait3A_45 = arith.constant 79 : i32
    %dma_wait3A_46 = arith.constant 0 : i32
    %dma_wait3A_47 = tpu.memref_slice %arg7[%dma_wait3A_45, %dma_wait3A_46] : memref<80x128xi32, #tpu.memory_space<vmem>> -> memref<1x128xi32, #tpu.memory_space<vmem>>
    %dma_wait3A_48 = tpu.memref_squeeze %dma_wait3A_47 : memref<1x128xi32, #tpu.memory_space<vmem>> -> memref<128xi32, #tpu.memory_space<vmem>>
    %dma_wait3A_49 = arith.constant 0 : i32
    %dma_wait3A_50 = arith.constant 0 : i32
    %dma_wait3A_51 = tpu.memref_slice %arg2[%dma_wait3A_49, %dma_wait3A_50] : memref<10240x64xf32, #tpu.memory_space<hbm>> -> memref<10240x64xf32, #tpu.memory_space<hbm>>
    tpu.wait_indirect_dma semaphore(%arg19 : memref<!tpu.dma_semaphore, #tpu.memory_space<semaphore_mem>>) src(%dma_wait3A_51 : memref<10240x64xf32, #tpu.memory_space<hbm>>) dst(%arg10 : memref<128x64xf32, #tpu.memory_space<vmem>>)
    %dma_wait3A_52 = arith.constant 79 : i32
    %dma_wait3A_53 = arith.constant 0 : i32
    %dma_wait3A_54 = tpu.memref_slice %arg7[%dma_wait3A_52, %dma_wait3A_53] : memref<80x128xi32, #tpu.memory_space<vmem>> -> memref<1x128xi32, #tpu.memory_space<vmem>>
    %dma_wait3A_55 = tpu.memref_squeeze %dma_wait3A_54 : memref<1x128xi32, #tpu.memory_space<vmem>> -> memref<128xi32, #tpu.memory_space<vmem>>
    %dma_wait3A_56 = arith.constant 0 : i32
    %dma_wait3A_57 = arith.constant 0 : i32
    %dma_wait3A_58 = tpu.memref_slice %arg2[%dma_wait3A_56, %dma_wait3A_57] : memref<10240x64xf32, #tpu.memory_space<hbm>> -> memref<10240x64xf32, #tpu.memory_space<hbm>>
    tpu.wait_indirect_dma semaphore(%arg20 : memref<!tpu.dma_semaphore, #tpu.memory_space<semaphore_mem>>) src(%dma_wait3A_58 : memref<10240x64xf32, #tpu.memory_space<hbm>>) dst(%arg11 : memref<128x64xf32, #tpu.memory_space<vmem>>)
    %dma_wait3A_59 = arith.constant 79 : i32
    %dma_wait3A_60 = arith.constant 0 : i32
    %dma_wait3A_61 = tpu.memref_slice %arg7[%dma_wait3A_59, %dma_wait3A_60] : memref<80x128xi32, #tpu.memory_space<vmem>> -> memref<1x128xi32, #tpu.memory_space<vmem>>
    %dma_wait3A_62 = tpu.memref_squeeze %dma_wait3A_61 : memref<1x128xi32, #tpu.memory_space<vmem>> -> memref<128xi32, #tpu.memory_space<vmem>>
    %dma_wait3A_63 = arith.constant 0 : i32
    %dma_wait3A_64 = arith.constant 0 : i32
    %dma_wait3A_65 = tpu.memref_slice %arg2[%dma_wait3A_63, %dma_wait3A_64] : memref<10240x64xf32, #tpu.memory_space<hbm>> -> memref<10240x64xf32, #tpu.memory_space<hbm>>
    tpu.wait_indirect_dma semaphore(%arg21 : memref<!tpu.dma_semaphore, #tpu.memory_space<semaphore_mem>>) src(%dma_wait3A_65 : memref<10240x64xf32, #tpu.memory_space<hbm>>) dst(%arg12 : memref<128x64xf32, #tpu.memory_space<vmem>>)
    %barrier3A_66 = arith.constant 0 : index
    tpu.barrier barrier_id(%barrier3A_66)
    %mul3A_67 = arith.constant 640 : i32
    %mul3A_68 = arith.muli %arg1, %mul3A_67 : i32
    %mul3A_69 = arith.constant 640 : i32
    %mul3A_70 = arith.muli %arg1, %mul3A_69 : i32
    "tpu.region"() ({
      %run_scoped3A = tpu.sem_alloc : memref<!tpu.dma_semaphore, #tpu.memory_space<semaphore_mem>>
      %dma_start3A_71 = arith.constant 0 : i32
      %dma_start3A_72 = tpu.memref_slice %arg6[%arg0, %mul3A_70, %dma_start3A_71] : memref<2x10240x64xf32, #tpu.memory_space<hbm>> -> memref<1x640x64xf32, #tpu.memory_space<hbm>>
      %dma_start3A_73 = tpu.memref_squeeze %dma_start3A_72 : memref<1x640x64xf32, #tpu.memory_space<hbm>> -> memref<640x64xf32, #tpu.memory_space<hbm>>
      %dma_start3A_74 = arith.constant 0 : i32
      %dma_start3A_75 = tpu.memref_slice %arg17[%mul3A_68, %dma_start3A_74] : memref<10240x64xf32, #tpu.memory_space<vmem_shared>> -> memref<640x64xf32, #tpu.memory_space<vmem_shared>>
      tpu.enqueue_dma source(%dma_start3A_75 : memref<640x64xf32, #tpu.memory_space<vmem_shared>>) target(%dma_start3A_73 : memref<640x64xf32, #tpu.memory_space<hbm>>) target_semaphore(%run_scoped3A : memref<!tpu.dma_semaphore, #tpu.memory_space<semaphore_mem>>)
      %dma_wait3A_76 = arith.constant 0 : i32
      %dma_wait3A_77 = tpu.memref_slice %arg6[%arg0, %mul3A_70, %dma_wait3A_76] : memref<2x10240x64xf32, #tpu.memory_space<hbm>> -> memref<1x640x64xf32, #tpu.memory_space<hbm>>
      %dma_wait3A_78 = tpu.memref_squeeze %dma_wait3A_77 : memref<1x640x64xf32, #tpu.memory_space<hbm>> -> memref<640x64xf32, #tpu.memory_space<hbm>>
      %dma_wait3A_79 = arith.constant 0 : i32
      %dma_wait3A_80 = tpu.memref_slice %arg17[%mul3A_68, %dma_wait3A_79] : memref<10240x64xf32, #tpu.memory_space<vmem_shared>> -> memref<640x64xf32, #tpu.memory_space<vmem_shared>>
      tpu.wait_dma2 semaphore(%run_scoped3A : memref<!tpu.dma_semaphore, #tpu.memory_space<semaphore_mem>>) src(%dma_wait3A_80 : memref<640x64xf32, #tpu.memory_space<vmem_shared>>) dst(%dma_wait3A_78 : memref<640x64xf32, #tpu.memory_space<hbm>>)
      tpu.yield
    }) : () -> ()
    return
  }
}

#map = affine_map<(d0, d1) -> (0, 0)>
#map1 = affine_map<(d0, d1) -> (0, 0, 0)>
module attributes {stable_mosaic.version = 14 : i64} {
  func.func @agg(%arg0: i32, %arg1: i32, %arg2: memref<10240x128xf32, #tpu.memory_space<hbm>>, %arg3: memref<5120x64xi32, #tpu.memory_space<hbm>>, %arg4: memref<5120x64xi32, #tpu.memory_space<hbm>>, %arg5: memref<10240x128xf32, #tpu.memory_space<hbm>>, %arg6: memref<2x10240x128xf32, #tpu.memory_space<hbm>>, %arg7: memref<160x64xi32, #tpu.memory_space<vmem>>, %arg8: memref<160x64xi32, #tpu.memory_space<vmem>>, %arg9: memref<64x128xf32, #tpu.memory_space<vmem>>, %arg10: memref<64x128xf32, #tpu.memory_space<vmem>>, %arg11: memref<64x128xf32, #tpu.memory_space<vmem>>, %arg12: memref<64x128xf32, #tpu.memory_space<vmem>>, %arg13: memref<10240x128xf32, #tpu.memory_space<vmem_shared>>, %arg14: memref<!tpu.dma_semaphore, #tpu.memory_space<semaphore_mem>>, %arg15: memref<!tpu.dma_semaphore, #tpu.memory_space<semaphore_mem>>, %arg16: memref<!tpu.dma_semaphore, #tpu.memory_space<semaphore_mem>>, %arg17: memref<!tpu.dma_semaphore, #tpu.memory_space<semaphore_mem>>) attributes {dimension_semantics = [#tpu.dimension_semantics<core_parallel>, #tpu.dimension_semantics<subcore_parallel>], iteration_bounds = array<i64: 2, 16>, scalar_prefetch = 0 : i64, scratch_operands = 11 : i64, tpu.core_type = #tpu.core_type<sc_vector_subcore>, window_params = [{transform_indices = #map}, {transform_indices = #map}, {transform_indices = #map}, {transform_indices = #map}, {transform_indices = #map1}]} {
    %mul3A = arith.constant 16 : i32
    %mul3A_0 = arith.muli %arg0, %mul3A : i32
    %add3A = arith.addi %mul3A_0, %arg1 : i32
    %eq3A = arith.constant 0 : i32
    %eq3A_1 = arith.cmpi eq, %arg1, %eq3A : i32
    %convert_element_type3A = arith.extui %eq3A_1 : i1 to i32
    %cond3A = arith.constant 0 : i32
    %cond3A_2 = arith.cmpi ne, %convert_element_type3A, %cond3A : i32
    scf.if %cond3A_2 {
      "tpu.region"() ({
        %run_scoped3A = tpu.sem_alloc : memref<!tpu.dma_semaphore, #tpu.memory_space<semaphore_mem>>
        tpu.enqueue_dma source(%arg5 : memref<10240x128xf32, #tpu.memory_space<hbm>>) target(%arg13 : memref<10240x128xf32, #tpu.memory_space<vmem_shared>>) target_semaphore(%run_scoped3A : memref<!tpu.dma_semaphore, #tpu.memory_space<semaphore_mem>>)
        tpu.wait_dma2 semaphore(%run_scoped3A : memref<!tpu.dma_semaphore, #tpu.memory_space<semaphore_mem>>) src(%arg5 : memref<10240x128xf32, #tpu.memory_space<hbm>>) dst(%arg13 : memref<10240x128xf32, #tpu.memory_space<vmem_shared>>)
        tpu.yield
      }) : () -> ()
    } else {
    }
    %mul3A_3 = arith.constant 160 : i32
    %mul3A_4 = arith.muli %add3A, %mul3A_3 : i32
    "tpu.region"() ({
      %run_scoped3A = tpu.sem_alloc : memref<!tpu.dma_semaphore, #tpu.memory_space<semaphore_mem>>
      %dma_start3A_43 = arith.constant 0 : i32
      %dma_start3A_44 = tpu.memref_slice %arg3[%mul3A_4, %dma_start3A_43] : memref<5120x64xi32, #tpu.memory_space<hbm>> -> memref<160x64xi32, #tpu.memory_space<hbm>>
      %dma_start3A_45 = arith.constant 0 : i32
      %dma_start3A_46 = tpu.memref_slice %arg3[%mul3A_4, %dma_start3A_45] : memref<5120x64xi32, #tpu.memory_space<hbm>> -> memref<160x64xi32, #tpu.memory_space<hbm>>
      tpu.enqueue_dma source(%dma_start3A_46 : memref<160x64xi32, #tpu.memory_space<hbm>>) target(%arg7 : memref<160x64xi32, #tpu.memory_space<vmem>>) target_semaphore(%run_scoped3A : memref<!tpu.dma_semaphore, #tpu.memory_space<semaphore_mem>>)
      %dma_wait3A_47 = arith.constant 0 : i32
      %dma_wait3A_48 = tpu.memref_slice %arg3[%mul3A_4, %dma_wait3A_47] : memref<5120x64xi32, #tpu.memory_space<hbm>> -> memref<160x64xi32, #tpu.memory_space<hbm>>
      %dma_wait3A_49 = arith.constant 0 : i32
      %dma_wait3A_50 = tpu.memref_slice %arg3[%mul3A_4, %dma_wait3A_49] : memref<5120x64xi32, #tpu.memory_space<hbm>> -> memref<160x64xi32, #tpu.memory_space<hbm>>
      tpu.wait_dma2 semaphore(%run_scoped3A : memref<!tpu.dma_semaphore, #tpu.memory_space<semaphore_mem>>) src(%dma_wait3A_50 : memref<160x64xi32, #tpu.memory_space<hbm>>) dst(%arg7 : memref<160x64xi32, #tpu.memory_space<vmem>>)
      tpu.yield
    }) : () -> ()
    %mul3A_5 = arith.constant 160 : i32
    %mul3A_6 = arith.muli %add3A, %mul3A_5 : i32
    "tpu.region"() ({
      %run_scoped3A = tpu.sem_alloc : memref<!tpu.dma_semaphore, #tpu.memory_space<semaphore_mem>>
      %dma_start3A_43 = arith.constant 0 : i32
      %dma_start3A_44 = tpu.memref_slice %arg4[%mul3A_6, %dma_start3A_43] : memref<5120x64xi32, #tpu.memory_space<hbm>> -> memref<160x64xi32, #tpu.memory_space<hbm>>
      %dma_start3A_45 = arith.constant 0 : i32
      %dma_start3A_46 = tpu.memref_slice %arg4[%mul3A_6, %dma_start3A_45] : memref<5120x64xi32, #tpu.memory_space<hbm>> -> memref<160x64xi32, #tpu.memory_space<hbm>>
      tpu.enqueue_dma source(%dma_start3A_46 : memref<160x64xi32, #tpu.memory_space<hbm>>) target(%arg8 : memref<160x64xi32, #tpu.memory_space<vmem>>) target_semaphore(%run_scoped3A : memref<!tpu.dma_semaphore, #tpu.memory_space<semaphore_mem>>)
      %dma_wait3A_47 = arith.constant 0 : i32
      %dma_wait3A_48 = tpu.memref_slice %arg4[%mul3A_6, %dma_wait3A_47] : memref<5120x64xi32, #tpu.memory_space<hbm>> -> memref<160x64xi32, #tpu.memory_space<hbm>>
      %dma_wait3A_49 = arith.constant 0 : i32
      %dma_wait3A_50 = tpu.memref_slice %arg4[%mul3A_6, %dma_wait3A_49] : memref<5120x64xi32, #tpu.memory_space<hbm>> -> memref<160x64xi32, #tpu.memory_space<hbm>>
      tpu.wait_dma2 semaphore(%run_scoped3A : memref<!tpu.dma_semaphore, #tpu.memory_space<semaphore_mem>>) src(%dma_wait3A_50 : memref<160x64xi32, #tpu.memory_space<hbm>>) dst(%arg8 : memref<160x64xi32, #tpu.memory_space<vmem>>)
      tpu.yield
    }) : () -> ()
    %barrier3A = arith.constant 0 : index
    tpu.barrier barrier_id(%barrier3A)
    %dma_start3A = arith.constant 0 : i32
    %dma_start3A_7 = arith.constant 0 : i32
    %dma_start3A_8 = tpu.memref_slice %arg7[%dma_start3A, %dma_start3A_7] : memref<160x64xi32, #tpu.memory_space<vmem>> -> memref<1x64xi32, #tpu.memory_space<vmem>>
    %dma_start3A_9 = tpu.memref_squeeze %dma_start3A_8 : memref<1x64xi32, #tpu.memory_space<vmem>> -> memref<64xi32, #tpu.memory_space<vmem>>
    %dma_start3A_10 = arith.constant 0 : i32
    %dma_start3A_11 = arith.constant 0 : i32
    %dma_start3A_12 = tpu.memref_slice %arg2[%dma_start3A_10, %dma_start3A_11] : memref<10240x128xf32, #tpu.memory_space<hbm>> -> memref<10240x128xf32, #tpu.memory_space<hbm>>
    tpu.enqueue_indirect_dma source(%dma_start3A_12 : memref<10240x128xf32, #tpu.memory_space<hbm>>) target(%arg9 : memref<64x128xf32, #tpu.memory_space<vmem>>) offsets(%dma_start3A_9 : memref<64xi32, #tpu.memory_space<vmem>>) semaphore(%arg14 : memref<!tpu.dma_semaphore, #tpu.memory_space<semaphore_mem>>)
    %dma_start3A_13 = arith.constant 1 : i32
    %dma_start3A_14 = arith.constant 0 : i32
    %dma_start3A_15 = tpu.memref_slice %arg7[%dma_start3A_13, %dma_start3A_14] : memref<160x64xi32, #tpu.memory_space<vmem>> -> memref<1x64xi32, #tpu.memory_space<vmem>>
    %dma_start3A_16 = tpu.memref_squeeze %dma_start3A_15 : memref<1x64xi32, #tpu.memory_space<vmem>> -> memref<64xi32, #tpu.memory_space<vmem>>
    %dma_start3A_17 = arith.constant 0 : i32
    %dma_start3A_18 = arith.constant 0 : i32
    %dma_start3A_19 = tpu.memref_slice %arg2[%dma_start3A_17, %dma_start3A_18] : memref<10240x128xf32, #tpu.memory_space<hbm>> -> memref<10240x128xf32, #tpu.memory_space<hbm>>
    tpu.enqueue_indirect_dma source(%dma_start3A_19 : memref<10240x128xf32, #tpu.memory_space<hbm>>) target(%arg10 : memref<64x128xf32, #tpu.memory_space<vmem>>) offsets(%dma_start3A_16 : memref<64xi32, #tpu.memory_space<vmem>>) semaphore(%arg15 : memref<!tpu.dma_semaphore, #tpu.memory_space<semaphore_mem>>)
    %scan3A = arith.constant 0 : i32
    %scan3A_20 = arith.constant 0 : i32
    %scan3A_21 = arith.constant 80 : i32
    %scan3A_22 = arith.addi %scan3A_20, %scan3A_21 : i32
    %scan3A_23 = arith.constant 1 : i32
    scf.for %scan3A_43 = %scan3A_20 to %scan3A_22 step %scan3A_23  : i32 {
      %mul3A_44 = arith.constant 2 : i32
      %mul3A_45 = arith.muli %scan3A_43, %mul3A_44 : i32
      %add3A_46 = arith.constant 0 : i32
      %add3A_47 = arith.addi %mul3A_45, %add3A_46 : i32
      %dma_wait3A_48 = arith.constant 0 : i32
      %dma_wait3A_49 = tpu.memref_slice %arg7[%add3A_47, %dma_wait3A_48] : memref<160x64xi32, #tpu.memory_space<vmem>> -> memref<1x64xi32, #tpu.memory_space<vmem>>
      %dma_wait3A_50 = tpu.memref_squeeze %dma_wait3A_49 : memref<1x64xi32, #tpu.memory_space<vmem>> -> memref<64xi32, #tpu.memory_space<vmem>>
      %dma_wait3A_51 = arith.constant 0 : i32
      %dma_wait3A_52 = arith.constant 0 : i32
      %dma_wait3A_53 = tpu.memref_slice %arg2[%dma_wait3A_51, %dma_wait3A_52] : memref<10240x128xf32, #tpu.memory_space<hbm>> -> memref<10240x128xf32, #tpu.memory_space<hbm>>
      tpu.wait_indirect_dma semaphore(%arg14 : memref<!tpu.dma_semaphore, #tpu.memory_space<semaphore_mem>>) src(%dma_wait3A_53 : memref<10240x128xf32, #tpu.memory_space<hbm>>) dst(%arg9 : memref<64x128xf32, #tpu.memory_space<vmem>>)
      %mul3A_54 = arith.constant 2 : i32
      %mul3A_55 = arith.muli %scan3A_43, %mul3A_54 : i32
      %add3A_56 = arith.constant 0 : i32
      %add3A_57 = arith.addi %mul3A_55, %add3A_56 : i32
      "tpu.region"() ({
        %run_scoped3A = tpu.sem_alloc : memref<!tpu.dma_semaphore, #tpu.memory_space<semaphore_mem>>
        %dma_start3A_99 = arith.constant 0 : i32
        %dma_start3A_100 = tpu.memref_slice %arg8[%add3A_57, %dma_start3A_99] : memref<160x64xi32, #tpu.memory_space<vmem>> -> memref<1x64xi32, #tpu.memory_space<vmem>>
        %dma_start3A_101 = tpu.memref_squeeze %dma_start3A_100 : memref<1x64xi32, #tpu.memory_space<vmem>> -> memref<64xi32, #tpu.memory_space<vmem>>
        %dma_start3A_102 = arith.constant 0 : i32
        %dma_start3A_103 = arith.constant 0 : i32
        %dma_start3A_104 = tpu.memref_slice %arg13[%dma_start3A_102, %dma_start3A_103] : memref<10240x128xf32, #tpu.memory_space<vmem_shared>> -> memref<10240x128xf32, #tpu.memory_space<vmem_shared>>
        tpu.enqueue_indirect_dma source(%arg9 : memref<64x128xf32, #tpu.memory_space<vmem>>) target(%dma_start3A_104 : memref<10240x128xf32, #tpu.memory_space<vmem_shared>>) offsets(%dma_start3A_101 : memref<64xi32, #tpu.memory_space<vmem>>) semaphore(%run_scoped3A : memref<!tpu.dma_semaphore, #tpu.memory_space<semaphore_mem>>) {add = true}
        %dma_wait3A_105 = arith.constant 0 : i32
        %dma_wait3A_106 = tpu.memref_slice %arg8[%add3A_57, %dma_wait3A_105] : memref<160x64xi32, #tpu.memory_space<vmem>> -> memref<1x64xi32, #tpu.memory_space<vmem>>
        %dma_wait3A_107 = tpu.memref_squeeze %dma_wait3A_106 : memref<1x64xi32, #tpu.memory_space<vmem>> -> memref<64xi32, #tpu.memory_space<vmem>>
        %dma_wait3A_108 = arith.constant 0 : i32
        %dma_wait3A_109 = arith.constant 0 : i32
        %dma_wait3A_110 = tpu.memref_slice %arg13[%dma_wait3A_108, %dma_wait3A_109] : memref<10240x128xf32, #tpu.memory_space<vmem_shared>> -> memref<10240x128xf32, #tpu.memory_space<vmem_shared>>
        tpu.wait_indirect_dma semaphore(%run_scoped3A : memref<!tpu.dma_semaphore, #tpu.memory_space<semaphore_mem>>) src(%arg9 : memref<64x128xf32, #tpu.memory_space<vmem>>) dst(%dma_wait3A_110 : memref<10240x128xf32, #tpu.memory_space<vmem_shared>>)
        tpu.yield
      }) : () -> ()
      %add3A_58 = arith.constant 1 : i32
      %add3A_59 = arith.addi %scan3A_43, %add3A_58 : i32
      %mul3A_60 = arith.constant 2 : i32
      %mul3A_61 = arith.muli %add3A_59, %mul3A_60 : i32
      %add3A_62 = arith.constant 0 : i32
      %add3A_63 = arith.addi %mul3A_61, %add3A_62 : i32
      %min3A = arith.constant 159 : i32
      %min3A_64 = arith.minsi %add3A_63, %min3A : i32
      %dma_start3A_65 = arith.constant 0 : i32
      %dma_start3A_66 = tpu.memref_slice %arg7[%min3A_64, %dma_start3A_65] : memref<160x64xi32, #tpu.memory_space<vmem>> -> memref<1x64xi32, #tpu.memory_space<vmem>>
      %dma_start3A_67 = tpu.memref_squeeze %dma_start3A_66 : memref<1x64xi32, #tpu.memory_space<vmem>> -> memref<64xi32, #tpu.memory_space<vmem>>
      %dma_start3A_68 = arith.constant 0 : i32
      %dma_start3A_69 = arith.constant 0 : i32
      %dma_start3A_70 = tpu.memref_slice %arg2[%dma_start3A_68, %dma_start3A_69] : memref<10240x128xf32, #tpu.memory_space<hbm>> -> memref<10240x128xf32, #tpu.memory_space<hbm>>
      tpu.enqueue_indirect_dma source(%dma_start3A_70 : memref<10240x128xf32, #tpu.memory_space<hbm>>) target(%arg9 : memref<64x128xf32, #tpu.memory_space<vmem>>) offsets(%dma_start3A_67 : memref<64xi32, #tpu.memory_space<vmem>>) semaphore(%arg14 : memref<!tpu.dma_semaphore, #tpu.memory_space<semaphore_mem>>)
      %mul3A_71 = arith.constant 2 : i32
      %mul3A_72 = arith.muli %scan3A_43, %mul3A_71 : i32
      %add3A_73 = arith.constant 1 : i32
      %add3A_74 = arith.addi %mul3A_72, %add3A_73 : i32
      %dma_wait3A_75 = arith.constant 0 : i32
      %dma_wait3A_76 = tpu.memref_slice %arg7[%add3A_74, %dma_wait3A_75] : memref<160x64xi32, #tpu.memory_space<vmem>> -> memref<1x64xi32, #tpu.memory_space<vmem>>
      %dma_wait3A_77 = tpu.memref_squeeze %dma_wait3A_76 : memref<1x64xi32, #tpu.memory_space<vmem>> -> memref<64xi32, #tpu.memory_space<vmem>>
      %dma_wait3A_78 = arith.constant 0 : i32
      %dma_wait3A_79 = arith.constant 0 : i32
      %dma_wait3A_80 = tpu.memref_slice %arg2[%dma_wait3A_78, %dma_wait3A_79] : memref<10240x128xf32, #tpu.memory_space<hbm>> -> memref<10240x128xf32, #tpu.memory_space<hbm>>
      tpu.wait_indirect_dma semaphore(%arg15 : memref<!tpu.dma_semaphore, #tpu.memory_space<semaphore_mem>>) src(%dma_wait3A_80 : memref<10240x128xf32, #tpu.memory_space<hbm>>) dst(%arg10 : memref<64x128xf32, #tpu.memory_space<vmem>>)
      %mul3A_81 = arith.constant 2 : i32
      %mul3A_82 = arith.muli %scan3A_43, %mul3A_81 : i32
      %add3A_83 = arith.constant 1 : i32
      %add3A_84 = arith.addi %mul3A_82, %add3A_83 : i32
      "tpu.region"() ({
        %run_scoped3A = tpu.sem_alloc : memref<!tpu.dma_semaphore, #tpu.memory_space<semaphore_mem>>
        %dma_start3A_99 = arith.constant 0 : i32
        %dma_start3A_100 = tpu.memref_slice %arg8[%add3A_84, %dma_start3A_99] : memref<160x64xi32, #tpu.memory_space<vmem>> -> memref<1x64xi32, #tpu.memory_space<vmem>>
        %dma_start3A_101 = tpu.memref_squeeze %dma_start3A_100 : memref<1x64xi32, #tpu.memory_space<vmem>> -> memref<64xi32, #tpu.memory_space<vmem>>
        %dma_start3A_102 = arith.constant 0 : i32
        %dma_start3A_103 = arith.constant 0 : i32
        %dma_start3A_104 = tpu.memref_slice %arg13[%dma_start3A_102, %dma_start3A_103] : memref<10240x128xf32, #tpu.memory_space<vmem_shared>> -> memref<10240x128xf32, #tpu.memory_space<vmem_shared>>
        tpu.enqueue_indirect_dma source(%arg10 : memref<64x128xf32, #tpu.memory_space<vmem>>) target(%dma_start3A_104 : memref<10240x128xf32, #tpu.memory_space<vmem_shared>>) offsets(%dma_start3A_101 : memref<64xi32, #tpu.memory_space<vmem>>) semaphore(%run_scoped3A : memref<!tpu.dma_semaphore, #tpu.memory_space<semaphore_mem>>) {add = true}
        %dma_wait3A_105 = arith.constant 0 : i32
        %dma_wait3A_106 = tpu.memref_slice %arg8[%add3A_84, %dma_wait3A_105] : memref<160x64xi32, #tpu.memory_space<vmem>> -> memref<1x64xi32, #tpu.memory_space<vmem>>
        %dma_wait3A_107 = tpu.memref_squeeze %dma_wait3A_106 : memref<1x64xi32, #tpu.memory_space<vmem>> -> memref<64xi32, #tpu.memory_space<vmem>>
        %dma_wait3A_108 = arith.constant 0 : i32
        %dma_wait3A_109 = arith.constant 0 : i32
        %dma_wait3A_110 = tpu.memref_slice %arg13[%dma_wait3A_108, %dma_wait3A_109] : memref<10240x128xf32, #tpu.memory_space<vmem_shared>> -> memref<10240x128xf32, #tpu.memory_space<vmem_shared>>
        tpu.wait_indirect_dma semaphore(%run_scoped3A : memref<!tpu.dma_semaphore, #tpu.memory_space<semaphore_mem>>) src(%arg10 : memref<64x128xf32, #tpu.memory_space<vmem>>) dst(%dma_wait3A_110 : memref<10240x128xf32, #tpu.memory_space<vmem_shared>>)
        tpu.yield
      }) : () -> ()
      %add3A_85 = arith.constant 1 : i32
      %add3A_86 = arith.addi %scan3A_43, %add3A_85 : i32
      %mul3A_87 = arith.constant 2 : i32
      %mul3A_88 = arith.muli %add3A_86, %mul3A_87 : i32
      %add3A_89 = arith.constant 1 : i32
      %add3A_90 = arith.addi %mul3A_88, %add3A_89 : i32
      %min3A_91 = arith.constant 159 : i32
      %min3A_92 = arith.minsi %add3A_90, %min3A_91 : i32
      %dma_start3A_93 = arith.constant 0 : i32
      %dma_start3A_94 = tpu.memref_slice %arg7[%min3A_92, %dma_start3A_93] : memref<160x64xi32, #tpu.memory_space<vmem>> -> memref<1x64xi32, #tpu.memory_space<vmem>>
      %dma_start3A_95 = tpu.memref_squeeze %dma_start3A_94 : memref<1x64xi32, #tpu.memory_space<vmem>> -> memref<64xi32, #tpu.memory_space<vmem>>
      %dma_start3A_96 = arith.constant 0 : i32
      %dma_start3A_97 = arith.constant 0 : i32
      %dma_start3A_98 = tpu.memref_slice %arg2[%dma_start3A_96, %dma_start3A_97] : memref<10240x128xf32, #tpu.memory_space<hbm>> -> memref<10240x128xf32, #tpu.memory_space<hbm>>
      tpu.enqueue_indirect_dma source(%dma_start3A_98 : memref<10240x128xf32, #tpu.memory_space<hbm>>) target(%arg10 : memref<64x128xf32, #tpu.memory_space<vmem>>) offsets(%dma_start3A_95 : memref<64xi32, #tpu.memory_space<vmem>>) semaphore(%arg15 : memref<!tpu.dma_semaphore, #tpu.memory_space<semaphore_mem>>)
    }
    %scan3A_24 = arith.constant 80 : i32
    %dma_wait3A = arith.constant 159 : i32
    %dma_wait3A_25 = arith.constant 0 : i32
    %dma_wait3A_26 = tpu.memref_slice %arg7[%dma_wait3A, %dma_wait3A_25] : memref<160x64xi32, #tpu.memory_space<vmem>> -> memref<1x64xi32, #tpu.memory_space<vmem>>
    %dma_wait3A_27 = tpu.memref_squeeze %dma_wait3A_26 : memref<1x64xi32, #tpu.memory_space<vmem>> -> memref<64xi32, #tpu.memory_space<vmem>>
    %dma_wait3A_28 = arith.constant 0 : i32
    %dma_wait3A_29 = arith.constant 0 : i32
    %dma_wait3A_30 = tpu.memref_slice %arg2[%dma_wait3A_28, %dma_wait3A_29] : memref<10240x128xf32, #tpu.memory_space<hbm>> -> memref<10240x128xf32, #tpu.memory_space<hbm>>
    tpu.wait_indirect_dma semaphore(%arg14 : memref<!tpu.dma_semaphore, #tpu.memory_space<semaphore_mem>>) src(%dma_wait3A_30 : memref<10240x128xf32, #tpu.memory_space<hbm>>) dst(%arg9 : memref<64x128xf32, #tpu.memory_space<vmem>>)
    %dma_wait3A_31 = arith.constant 159 : i32
    %dma_wait3A_32 = arith.constant 0 : i32
    %dma_wait3A_33 = tpu.memref_slice %arg7[%dma_wait3A_31, %dma_wait3A_32] : memref<160x64xi32, #tpu.memory_space<vmem>> -> memref<1x64xi32, #tpu.memory_space<vmem>>
    %dma_wait3A_34 = tpu.memref_squeeze %dma_wait3A_33 : memref<1x64xi32, #tpu.memory_space<vmem>> -> memref<64xi32, #tpu.memory_space<vmem>>
    %dma_wait3A_35 = arith.constant 0 : i32
    %dma_wait3A_36 = arith.constant 0 : i32
    %dma_wait3A_37 = tpu.memref_slice %arg2[%dma_wait3A_35, %dma_wait3A_36] : memref<10240x128xf32, #tpu.memory_space<hbm>> -> memref<10240x128xf32, #tpu.memory_space<hbm>>
    tpu.wait_indirect_dma semaphore(%arg15 : memref<!tpu.dma_semaphore, #tpu.memory_space<semaphore_mem>>) src(%dma_wait3A_37 : memref<10240x128xf32, #tpu.memory_space<hbm>>) dst(%arg10 : memref<64x128xf32, #tpu.memory_space<vmem>>)
    %barrier3A_38 = arith.constant 0 : index
    tpu.barrier barrier_id(%barrier3A_38)
    %mul3A_39 = arith.constant 640 : i32
    %mul3A_40 = arith.muli %arg1, %mul3A_39 : i32
    %mul3A_41 = arith.constant 640 : i32
    %mul3A_42 = arith.muli %arg1, %mul3A_41 : i32
    "tpu.region"() ({
      %run_scoped3A = tpu.sem_alloc : memref<!tpu.dma_semaphore, #tpu.memory_space<semaphore_mem>>
      %dma_start3A_43 = arith.constant 0 : i32
      %dma_start3A_44 = tpu.memref_slice %arg6[%arg0, %mul3A_42, %dma_start3A_43] : memref<2x10240x128xf32, #tpu.memory_space<hbm>> -> memref<1x640x128xf32, #tpu.memory_space<hbm>>
      %dma_start3A_45 = tpu.memref_squeeze %dma_start3A_44 : memref<1x640x128xf32, #tpu.memory_space<hbm>> -> memref<640x128xf32, #tpu.memory_space<hbm>>
      %dma_start3A_46 = arith.constant 0 : i32
      %dma_start3A_47 = tpu.memref_slice %arg13[%mul3A_40, %dma_start3A_46] : memref<10240x128xf32, #tpu.memory_space<vmem_shared>> -> memref<640x128xf32, #tpu.memory_space<vmem_shared>>
      tpu.enqueue_dma source(%dma_start3A_47 : memref<640x128xf32, #tpu.memory_space<vmem_shared>>) target(%dma_start3A_45 : memref<640x128xf32, #tpu.memory_space<hbm>>) target_semaphore(%run_scoped3A : memref<!tpu.dma_semaphore, #tpu.memory_space<semaphore_mem>>)
      %dma_wait3A_48 = arith.constant 0 : i32
      %dma_wait3A_49 = tpu.memref_slice %arg6[%arg0, %mul3A_42, %dma_wait3A_48] : memref<2x10240x128xf32, #tpu.memory_space<hbm>> -> memref<1x640x128xf32, #tpu.memory_space<hbm>>
      %dma_wait3A_50 = tpu.memref_squeeze %dma_wait3A_49 : memref<1x640x128xf32, #tpu.memory_space<hbm>> -> memref<640x128xf32, #tpu.memory_space<hbm>>
      %dma_wait3A_51 = arith.constant 0 : i32
      %dma_wait3A_52 = tpu.memref_slice %arg13[%mul3A_40, %dma_wait3A_51] : memref<10240x128xf32, #tpu.memory_space<vmem_shared>> -> memref<640x128xf32, #tpu.memory_space<vmem_shared>>
      tpu.wait_dma2 semaphore(%run_scoped3A : memref<!tpu.dma_semaphore, #tpu.memory_space<semaphore_mem>>) src(%dma_wait3A_52 : memref<640x128xf32, #tpu.memory_space<vmem_shared>>) dst(%dma_wait3A_50 : memref<640x128xf32, #tpu.memory_space<hbm>>)
      tpu.yield
    }) : () -> ()
    return
  }
}

module attributes {stable_mosaic.version = 14 : i64} {
  func.func @_mlp1_body(%arg0: memref<10240x128xf32, #tpu.memory_space<vmem>>, %arg1: memref<2x10240x128xf32, #tpu.memory_space<vmem>>, %arg2: memref<128x64xf32, #tpu.memory_space<vmem>>, %arg3: memref<64xf32, #tpu.memory_space<vmem>>, %arg4: memref<64xf32, #tpu.memory_space<vmem>>, %arg5: memref<64x64xf32, #tpu.memory_space<vmem>>, %arg6: memref<64xf32, #tpu.memory_space<vmem>>, %arg7: memref<10240x64xf32, #tpu.memory_space<vmem>>) attributes {dimension_semantics = [], scalar_prefetch = 0 : i64, scratch_operands = 0 : i64, tpu.core_type = #tpu.core_type<tc>} {
    %get3A = arith.constant 0 : index
    %get3A_0 = arith.constant 0 : index
    %get3A_1 = vector.load %arg0[%get3A, %get3A_0] : memref<10240x128xf32, #tpu.memory_space<vmem>>, vector<10240x128xf32>
    %get3A_2 = arith.constant 0 : index
    %get3A_3 = arith.constant 0 : index
    %get3A_4 = arith.constant 0 : index
    %get3A_5 = vector.load %arg1[%get3A_2, %get3A_3, %get3A_4] : memref<2x10240x128xf32, #tpu.memory_space<vmem>>, vector<1x10240x128xf32>
    %get3A_6 = vector.shape_cast %get3A_5 : vector<1x10240x128xf32> to vector<10240x128xf32>
    %add3A = arith.addf %get3A_1, %get3A_6 : vector<10240x128xf32>
    %get3A_7 = arith.constant 1 : index
    %get3A_8 = arith.constant 0 : index
    %get3A_9 = arith.constant 0 : index
    %get3A_10 = vector.load %arg1[%get3A_7, %get3A_8, %get3A_9] : memref<2x10240x128xf32, #tpu.memory_space<vmem>>, vector<1x10240x128xf32>
    %get3A_11 = vector.shape_cast %get3A_10 : vector<1x10240x128xf32> to vector<10240x128xf32>
    %add3A_12 = arith.addf %add3A, %get3A_11 : vector<10240x128xf32>
    %get3A_13 = arith.constant 0 : index
    %get3A_14 = arith.constant 0 : index
    %get3A_15 = vector.load %arg2[%get3A_13, %get3A_14] : memref<128x64xf32, #tpu.memory_space<vmem>>, vector<128x64xf32>
    %dot_general3A = arith.constant dense<0.000000e+00> : vector<10240x64xf32>
    %dot_general3A_16 = tpu.matmul %add3A_12, %get3A_15, %dot_general3A {dimension_numbers = #tpu.dot_dimension_numbers<[1], [0], [0], [1], [0, 0, 1, 1], [], []>, transpose_lhs_hint = false} : vector<10240x128xf32>, vector<128x64xf32>, vector<10240x64xf32> -> vector<10240x64xf32>
    %reduce_sum3A = arith.constant dense<0.000000e+00> : vector<64xf32>
    %reduce_sum3A_17 = vector.multi_reduction <add>, %dot_general3A_16, %reduce_sum3A [0] : vector<10240x64xf32> to vector<64xf32>
    %div3A = arith.constant 1.000000e+04 : f32
    %div3A_18 = vector.broadcast %div3A : f32 to vector<64xf32>
    %div3A_19 = arith.divf %reduce_sum3A_17, %div3A_18 : vector<64xf32>
    %broadcast_in_dim3A = vector.shape_cast %div3A_19 : vector<64xf32> to vector<1x64xf32>
    %sub3A = vector.broadcast %broadcast_in_dim3A : vector<1x64xf32> to vector<10240x64xf32>
    %sub3A_20 = arith.subf %dot_general3A_16, %sub3A : vector<10240x64xf32>
    %mul3A = arith.mulf %sub3A_20, %sub3A_20 : vector<10240x64xf32>
    %reduce_sum3A_21 = arith.constant dense<0.000000e+00> : vector<64xf32>
    %reduce_sum3A_22 = vector.multi_reduction <add>, %mul3A, %reduce_sum3A_21 [0] : vector<10240x64xf32> to vector<64xf32>
    %mul3A_23 = arith.constant 2.400000e+02 : f32
    %mul3A_24 = vector.broadcast %mul3A_23 : f32 to vector<64xf32>
    %mul3A_25 = arith.mulf %mul3A_24, %div3A_19 : vector<64xf32>
    %mul3A_26 = arith.mulf %mul3A_25, %div3A_19 : vector<64xf32>
    %sub3A_27 = arith.subf %reduce_sum3A_22, %mul3A_26 : vector<64xf32>
    %div3A_28 = arith.constant 1.000000e+04 : f32
    %div3A_29 = vector.broadcast %div3A_28 : f32 to vector<64xf32>
    %div3A_30 = arith.divf %sub3A_27, %div3A_29 : vector<64xf32>
    %add3A_31 = arith.constant 9.99999974E-6 : f32
    %add3A_32 = vector.broadcast %add3A_31 : f32 to vector<64xf32>
    %add3A_33 = arith.addf %div3A_30, %add3A_32 : vector<64xf32>
    %sqrt3A = math.sqrt %add3A_33 : vector<64xf32>
    %broadcast_in_dim3A_34 = vector.shape_cast %sqrt3A : vector<64xf32> to vector<1x64xf32>
    %div3A_35 = vector.broadcast %broadcast_in_dim3A_34 : vector<1x64xf32> to vector<10240x64xf32>
    %div3A_36 = arith.divf %sub3A_20, %div3A_35 : vector<10240x64xf32>
    %get3A_37 = arith.constant 0 : index
    %get3A_38 = vector.load %arg3[%get3A_37] : memref<64xf32, #tpu.memory_space<vmem>>, vector<64xf32>
    %broadcast_in_dim3A_39 = vector.shape_cast %get3A_38 : vector<64xf32> to vector<1x64xf32>
    %mul3A_40 = vector.broadcast %broadcast_in_dim3A_39 : vector<1x64xf32> to vector<10240x64xf32>
    %mul3A_41 = arith.mulf %div3A_36, %mul3A_40 : vector<10240x64xf32>
    %get3A_42 = arith.constant 0 : index
    %get3A_43 = vector.load %arg4[%get3A_42] : memref<64xf32, #tpu.memory_space<vmem>>, vector<64xf32>
    %broadcast_in_dim3A_44 = vector.shape_cast %get3A_43 : vector<64xf32> to vector<1x64xf32>
    %add3A_45 = vector.broadcast %broadcast_in_dim3A_44 : vector<1x64xf32> to vector<10240x64xf32>
    %add3A_46 = arith.addf %mul3A_41, %add3A_45 : vector<10240x64xf32>
    %max3A = arith.constant 0.000000e+00 : f32
    %max3A_47 = vector.broadcast %max3A : f32 to vector<10240x64xf32>
    %max3A_48 = arith.maximumf %add3A_46, %max3A_47 : vector<10240x64xf32>
    %get3A_49 = arith.constant 0 : index
    %get3A_50 = arith.constant 0 : index
    %get3A_51 = vector.load %arg5[%get3A_49, %get3A_50] : memref<64x64xf32, #tpu.memory_space<vmem>>, vector<64x64xf32>
    %dot_general3A_52 = arith.constant dense<0.000000e+00> : vector<10240x64xf32>
    %dot_general3A_53 = tpu.matmul %max3A_48, %get3A_51, %dot_general3A_52 {dimension_numbers = #tpu.dot_dimension_numbers<[1], [0], [0], [1], [0, 0, 1, 1], [], []>, transpose_lhs_hint = false} : vector<10240x64xf32>, vector<64x64xf32>, vector<10240x64xf32> -> vector<10240x64xf32>
    %get3A_54 = arith.constant 0 : index
    %get3A_55 = vector.load %arg6[%get3A_54] : memref<64xf32, #tpu.memory_space<vmem>>, vector<64xf32>
    %broadcast_in_dim3A_56 = vector.shape_cast %get3A_55 : vector<64xf32> to vector<1x64xf32>
    %add3A_57 = vector.broadcast %broadcast_in_dim3A_56 : vector<1x64xf32> to vector<10240x64xf32>
    %add3A_58 = arith.addf %dot_general3A_53, %add3A_57 : vector<10240x64xf32>
    %max3A_59 = arith.constant 0.000000e+00 : f32
    %max3A_60 = vector.broadcast %max3A_59 : f32 to vector<10240x64xf32>
    %max3A_61 = arith.maximumf %add3A_58, %max3A_60 : vector<10240x64xf32>
    %iota3A = tpu.iota {dimensions = array<i32: 0>} : vector<10240x1xi32>
    %lt3A = arith.constant 10000 : i32
    %lt3A_62 = vector.broadcast %lt3A : i32 to vector<10240x1xi32>
    %lt3A_63 = arith.cmpi slt, %iota3A, %lt3A_62 : vector<10240x1xi32>
    %jit3A = arith.constant 0.000000e+00 : f32
    %broadcast_in_dim3A_64 = vector.shape_cast %lt3A_63 : vector<10240x1xi1> to vector<10240x1xi1>
    %broadcast_in_dim3A_65 = vector.broadcast %broadcast_in_dim3A_64 : vector<10240x1xi1> to vector<10240x64xi1>
    %broadcast_in_dim3A_66 = vector.broadcast %jit3A : f32 to vector<10240x64xf32>
    %select_n3A = arith.select %broadcast_in_dim3A_65, %max3A_61, %broadcast_in_dim3A_66 : vector<10240x64xi1>, vector<10240x64xf32>
    %swap3A = arith.constant 0 : index
    %swap3A_67 = arith.constant 0 : index
    %swap3A_68 = vector.load %arg7[%swap3A, %swap3A_67] : memref<10240x64xf32, #tpu.memory_space<vmem>>, vector<10240x64xf32>
    tpu.vector_store %arg7[%swap3A, %swap3A_67], %select_n3A {strides = array<i32>} : memref<10240x64xf32, #tpu.memory_space<vmem>>, vector<10240x64xf32>,
    return
  }
}

module attributes {stable_mosaic.version = 14 : i64} {
  func.func @_mlp2_head_body(%arg0: memref<10240x64xf32, #tpu.memory_space<vmem>>, %arg1: memref<2x10240x64xf32, #tpu.memory_space<vmem>>, %arg2: memref<64x64xf32, #tpu.memory_space<vmem>>, %arg3: memref<64xf32, #tpu.memory_space<vmem>>, %arg4: memref<64xf32, #tpu.memory_space<vmem>>, %arg5: memref<64x64xf32, #tpu.memory_space<vmem>>, %arg6: memref<64xf32, #tpu.memory_space<vmem>>, %arg7: memref<64x32xf32, #tpu.memory_space<vmem>>, %arg8: memref<32xf32, #tpu.memory_space<vmem>>, %arg9: memref<32x4xf32, #tpu.memory_space<vmem>>, %arg10: memref<4xf32, #tpu.memory_space<vmem>>, %arg11: memref<10240x4xf32, #tpu.memory_space<vmem>>) attributes {dimension_semantics = [], scalar_prefetch = 0 : i64, scratch_operands = 0 : i64, tpu.core_type = #tpu.core_type<tc>} {
    %get3A = arith.constant 0 : index
    %get3A_0 = arith.constant 0 : index
    %get3A_1 = vector.load %arg0[%get3A, %get3A_0] : memref<10240x64xf32, #tpu.memory_space<vmem>>, vector<10240x64xf32>
    %get3A_2 = arith.constant 0 : index
    %get3A_3 = arith.constant 0 : index
    %get3A_4 = arith.constant 0 : index
    %get3A_5 = vector.load %arg1[%get3A_2, %get3A_3, %get3A_4] : memref<2x10240x64xf32, #tpu.memory_space<vmem>>, vector<1x10240x64xf32>
    %get3A_6 = vector.shape_cast %get3A_5 : vector<1x10240x64xf32> to vector<10240x64xf32>
    %add3A = arith.addf %get3A_1, %get3A_6 : vector<10240x64xf32>
    %get3A_7 = arith.constant 1 : index
    %get3A_8 = arith.constant 0 : index
    %get3A_9 = arith.constant 0 : index
    %get3A_10 = vector.load %arg1[%get3A_7, %get3A_8, %get3A_9] : memref<2x10240x64xf32, #tpu.memory_space<vmem>>, vector<1x10240x64xf32>
    %get3A_11 = vector.shape_cast %get3A_10 : vector<1x10240x64xf32> to vector<10240x64xf32>
    %add3A_12 = arith.addf %add3A, %get3A_11 : vector<10240x64xf32>
    %get3A_13 = arith.constant 0 : index
    %get3A_14 = arith.constant 0 : index
    %get3A_15 = vector.load %arg2[%get3A_13, %get3A_14] : memref<64x64xf32, #tpu.memory_space<vmem>>, vector<64x64xf32>
    %dot_general3A = arith.constant dense<0.000000e+00> : vector<10240x64xf32>
    %dot_general3A_16 = tpu.matmul %add3A_12, %get3A_15, %dot_general3A {dimension_numbers = #tpu.dot_dimension_numbers<[1], [0], [0], [1], [0, 0, 1, 1], [], []>, transpose_lhs_hint = false} : vector<10240x64xf32>, vector<64x64xf32>, vector<10240x64xf32> -> vector<10240x64xf32>
    %reduce_sum3A = arith.constant dense<0.000000e+00> : vector<64xf32>
    %reduce_sum3A_17 = vector.multi_reduction <add>, %dot_general3A_16, %reduce_sum3A [0] : vector<10240x64xf32> to vector<64xf32>
    %div3A = arith.constant 1.000000e+04 : f32
    %div3A_18 = vector.broadcast %div3A : f32 to vector<64xf32>
    %div3A_19 = arith.divf %reduce_sum3A_17, %div3A_18 : vector<64xf32>
    %broadcast_in_dim3A = vector.shape_cast %div3A_19 : vector<64xf32> to vector<1x64xf32>
    %sub3A = vector.broadcast %broadcast_in_dim3A : vector<1x64xf32> to vector<10240x64xf32>
    %sub3A_20 = arith.subf %dot_general3A_16, %sub3A : vector<10240x64xf32>
    %mul3A = arith.mulf %sub3A_20, %sub3A_20 : vector<10240x64xf32>
    %reduce_sum3A_21 = arith.constant dense<0.000000e+00> : vector<64xf32>
    %reduce_sum3A_22 = vector.multi_reduction <add>, %mul3A, %reduce_sum3A_21 [0] : vector<10240x64xf32> to vector<64xf32>
    %mul3A_23 = arith.constant 2.400000e+02 : f32
    %mul3A_24 = vector.broadcast %mul3A_23 : f32 to vector<64xf32>
    %mul3A_25 = arith.mulf %mul3A_24, %div3A_19 : vector<64xf32>
    %mul3A_26 = arith.mulf %mul3A_25, %div3A_19 : vector<64xf32>
    %sub3A_27 = arith.subf %reduce_sum3A_22, %mul3A_26 : vector<64xf32>
    %div3A_28 = arith.constant 1.000000e+04 : f32
    %div3A_29 = vector.broadcast %div3A_28 : f32 to vector<64xf32>
    %div3A_30 = arith.divf %sub3A_27, %div3A_29 : vector<64xf32>
    %add3A_31 = arith.constant 9.99999974E-6 : f32
    %add3A_32 = vector.broadcast %add3A_31 : f32 to vector<64xf32>
    %add3A_33 = arith.addf %div3A_30, %add3A_32 : vector<64xf32>
    %sqrt3A = math.sqrt %add3A_33 : vector<64xf32>
    %broadcast_in_dim3A_34 = vector.shape_cast %sqrt3A : vector<64xf32> to vector<1x64xf32>
    %div3A_35 = vector.broadcast %broadcast_in_dim3A_34 : vector<1x64xf32> to vector<10240x64xf32>
    %div3A_36 = arith.divf %sub3A_20, %div3A_35 : vector<10240x64xf32>
    %get3A_37 = arith.constant 0 : index
    %get3A_38 = vector.load %arg3[%get3A_37] : memref<64xf32, #tpu.memory_space<vmem>>, vector<64xf32>
    %broadcast_in_dim3A_39 = vector.shape_cast %get3A_38 : vector<64xf32> to vector<1x64xf32>
    %mul3A_40 = vector.broadcast %broadcast_in_dim3A_39 : vector<1x64xf32> to vector<10240x64xf32>
    %mul3A_41 = arith.mulf %div3A_36, %mul3A_40 : vector<10240x64xf32>
    %get3A_42 = arith.constant 0 : index
    %get3A_43 = vector.load %arg4[%get3A_42] : memref<64xf32, #tpu.memory_space<vmem>>, vector<64xf32>
    %broadcast_in_dim3A_44 = vector.shape_cast %get3A_43 : vector<64xf32> to vector<1x64xf32>
    %add3A_45 = vector.broadcast %broadcast_in_dim3A_44 : vector<1x64xf32> to vector<10240x64xf32>
    %add3A_46 = arith.addf %mul3A_41, %add3A_45 : vector<10240x64xf32>
    %max3A = arith.constant 0.000000e+00 : f32
    %max3A_47 = vector.broadcast %max3A : f32 to vector<10240x64xf32>
    %max3A_48 = arith.maximumf %add3A_46, %max3A_47 : vector<10240x64xf32>
    %get3A_49 = arith.constant 0 : index
    %get3A_50 = arith.constant 0 : index
    %get3A_51 = vector.load %arg5[%get3A_49, %get3A_50] : memref<64x64xf32, #tpu.memory_space<vmem>>, vector<64x64xf32>
    %dot_general3A_52 = arith.constant dense<0.000000e+00> : vector<10240x64xf32>
    %dot_general3A_53 = tpu.matmul %max3A_48, %get3A_51, %dot_general3A_52 {dimension_numbers = #tpu.dot_dimension_numbers<[1], [0], [0], [1], [0, 0, 1, 1], [], []>, transpose_lhs_hint = false} : vector<10240x64xf32>, vector<64x64xf32>, vector<10240x64xf32> -> vector<10240x64xf32>
    %get3A_54 = arith.constant 0 : index
    %get3A_55 = vector.load %arg6[%get3A_54] : memref<64xf32, #tpu.memory_space<vmem>>, vector<64xf32>
    %broadcast_in_dim3A_56 = vector.shape_cast %get3A_55 : vector<64xf32> to vector<1x64xf32>
    %add3A_57 = vector.broadcast %broadcast_in_dim3A_56 : vector<1x64xf32> to vector<10240x64xf32>
    %add3A_58 = arith.addf %dot_general3A_53, %add3A_57 : vector<10240x64xf32>
    %max3A_59 = arith.constant 0.000000e+00 : f32
    %max3A_60 = vector.broadcast %max3A_59 : f32 to vector<10240x64xf32>
    %max3A_61 = arith.maximumf %add3A_58, %max3A_60 : vector<10240x64xf32>
    %get3A_62 = arith.constant 0 : index
    %get3A_63 = arith.constant 0 : index
    %get3A_64 = vector.load %arg7[%get3A_62, %get3A_63] : memref<64x32xf32, #tpu.memory_space<vmem>>, vector<64x32xf32>
    %dot_general3A_65 = arith.constant dense<0.000000e+00> : vector<10240x32xf32>
    %dot_general3A_66 = tpu.matmul %max3A_61, %get3A_64, %dot_general3A_65 {dimension_numbers = #tpu.dot_dimension_numbers<[1], [0], [0], [1], [0, 0, 1, 1], [], []>, transpose_lhs_hint = false} : vector<10240x64xf32>, vector<64x32xf32>, vector<10240x32xf32> -> vector<10240x32xf32>
    %get3A_67 = arith.constant 0 : index
    %get3A_68 = vector.load %arg8[%get3A_67] : memref<32xf32, #tpu.memory_space<vmem>>, vector<32xf32>
    %broadcast_in_dim3A_69 = vector.shape_cast %get3A_68 : vector<32xf32> to vector<1x32xf32>
    %add3A_70 = vector.broadcast %broadcast_in_dim3A_69 : vector<1x32xf32> to vector<10240x32xf32>
    %add3A_71 = arith.addf %dot_general3A_66, %add3A_70 : vector<10240x32xf32>
    %max3A_72 = arith.constant 0.000000e+00 : f32
    %max3A_73 = vector.broadcast %max3A_72 : f32 to vector<10240x32xf32>
    %max3A_74 = arith.maximumf %add3A_71, %max3A_73 : vector<10240x32xf32>
    %get3A_75 = arith.constant 0 : index
    %get3A_76 = arith.constant 0 : index
    %get3A_77 = vector.load %arg9[%get3A_75, %get3A_76] : memref<32x4xf32, #tpu.memory_space<vmem>>, vector<32x4xf32>
    %dot_general3A_78 = arith.constant dense<0.000000e+00> : vector<10240x4xf32>
    %dot_general3A_79 = tpu.matmul %max3A_74, %get3A_77, %dot_general3A_78 {dimension_numbers = #tpu.dot_dimension_numbers<[1], [0], [0], [1], [0, 0, 1, 1], [], []>, transpose_lhs_hint = false} : vector<10240x32xf32>, vector<32x4xf32>, vector<10240x4xf32> -> vector<10240x4xf32>
    %get3A_80 = arith.constant 0 : index
    %get3A_81 = vector.load %arg10[%get3A_80] : memref<4xf32, #tpu.memory_space<vmem>>, vector<4xf32>
    %broadcast_in_dim3A_82 = vector.shape_cast %get3A_81 : vector<4xf32> to vector<1x4xf32>
    %add3A_83 = vector.broadcast %broadcast_in_dim3A_82 : vector<1x4xf32> to vector<10240x4xf32>
    %add3A_84 = arith.addf %dot_general3A_79, %add3A_83 : vector<10240x4xf32>
    %swap3A = arith.constant 0 : index
    %swap3A_85 = arith.constant 0 : index
    %swap3A_86 = vector.load %arg11[%swap3A, %swap3A_85] : memref<10240x4xf32, #tpu.memory_space<vmem>>, vector<10240x4xf32>
    tpu.vector_store %arg11[%swap3A, %swap3A_85], %add3A_84 {strides = array<i32>} : memref<10240x4xf32, #tpu.memory_space<vmem>>, vector<10240x4xf32>,
    return
  }
}

</mosaic_0001>

<sc_bundles>
// kernel: kernel.6.cloned.1.call-start
scs
__scs_entry_jumppad:
0x0: {  	(pc) =	sbr.rel $0x88, $3  }
0x1: {  	(tag) =	ssettag $0x0;
	lr =	simm.s32 $0x1  }
0x2: {  	[smem:$0x3F91] =	sst lr;
	_ =	strace $0xD0000000  }
0x3: {  	_ = 	snop  }
0x4: {  	_ = 	snop  }
0x5: {  	_ = 	snop  }
0x6: {  	_ = 	snop  }
0x7: {  	_ = 	snop  }
__scs_overlays_trampoline_lowered:
0x8: {  	[smem:$0x3FA0] =	sst s0  }
0x9: {  	[smem:$0x3FA1] =	sst s1  }
0xa: {  	[smem:$0x3FA2] =	sst s2  }
0xb: {  	[smem:$0x3FA3] =	sst s3  }
0xc: {  	[smem:$0x3FA4] =	sst s4  }
0xd: {  	[smem:$0x3FA5] =	sst s5  }
0xe: {  	[smem:$0x3FA6] =	sst s6  }
0xf: {  	[smem:$0x3FA7] =	sst s7  }
0x10: {  	[smem:$0x3FA8] =	sst s8  }
0x11: {  	[smem:$0x3FA9] =	sst s9;
	s0 =	simm.s32 @!p0 $0x0  }
0x12: {  	s1 =	sld [smem:$0x3F8F];
	s0 =	simm.s32 @p0 $0x1  }
0x13: {  	[smem:$0x3FAA] =	sst s0;
	s0 =	simm.s32 @!p1 $0x0  }
0x14: {  	s2 =	sld [smem:$0x3F8E];
	s0 =	simm.s32 @p1 $0x1  }
0x15: {  	[smem:$0x3FAB] =	sst s0;
	s0 =	simm.s32 @!p2 $0x0  }
0x16: {  	s3 =	sld [smem:$0x3FDB];
	s0 =	simm.s32 @p2 $0x1  }
0x17: {  	s4 =	simm.s32 $0x1BF5;
	[smem:$0x3FAD] =	sst s0  }
0x18: {  	s0 =	sld [smem:$0x3F90];
	_ =	swait.ge [sflag:s4], $0x0  }
0x19: {  	s7 =	sld [smem:$0x3F91]  }
0x1a: {  	s8 =	sadd.s32 $0xFFFFE003, lr  }
0x1b: {  	s9 =	sadd.s32 $0xFFFFFEF7, lr;
	s5 =	simm.s32 $0xFFFFFFFF;
	p2 =	slt.u32 s8, $0xFFFFF086  }
0x1c: {  	p1 =	slt.u32 s9, $0xF7A;
	s5 =	simm.s32 @!p2 $0x0  }
0x1d: {  	s5 =	simm.s32 @p1 $0x1;
	p0 =	seq.s32 s7, s2  }
0x1e: {  	s7 =	smul.u32 @!p0 $0xF7A, s2;
	p2 =	seq.s32 @!p0 s5, $0x0  }
0x1f: {  	s9 =	smul.u32 $0xF7A, s1;
	s8 =	simm.s32 @!p0 $0x1BF5;
	p2 =	por !p2, p0  }
0x20: {  	[sflag:s8] =	ssyncset.s32 @!p0 $0xFFFFF086;
	s6 =	sadd.s32 @!p0 s3, s7;
	s7 =	simm.s32 @!p0 $0x108  }
0x21: {  	s3 =	sadd.s32 s3, s9;
	s6 =	sadd.s32 @!p0 $0x88, s6;
	s7 =	simm.s32 @p2 $0x1082  }
0x22: {  	[simem:s7], [sflag:s8] =	dma.local @!p0 [hbm:s6], $0xF7A  }
0x23: {  	s9 =	sor.u32 $0xD0000000, s2;
	s6 =	simm.s32 $0x108;
	_ =	swait.ge @!p0 [sflag:s8], $0x0  }
0x24: {  	s3 =	sadd.s32 $0x88, s3;
	s6 =	simm.s32 @!p1 $0x1082;
	[sflag:s4] =	ssyncset.s32 $0xFFFFF086  }
0x25: {  	[simem:s6], [sflag:s4] =	dma.local [hbm:s3], $0xF7A  }
0x26: {  	[smem:$0x3F91] =	sst s1;
	(tag) =	ssettag s2;
	_ =	strace s9  }
0x27: {  	s1 =	sld [smem:$0x3FA1]  }
0x28: {  	s2 =	sld [smem:$0x3FA2]  }
0x29: {  	s4 =	sld [smem:$0x3FA4]  }
0x2a: {  	p0 =	seq.s32 s5, $0x0;
	s5 =	sld [smem:$0x3FA5]  }
0x2b: {  	s6 =	sld [smem:$0x3FA6]  }
0x2c: {  	s7 =	sld [smem:$0x3FA7]  }
0x2d: {  	s3 =	simm.s32 $0x108;
	s8 =	sld [smem:$0x3FA8]  }
0x2e: {  	s3 =	simm.s32 @!p0 $0x1082;
	s9 =	sld [smem:$0x3FA9]  }
0x2f: {  	lr =	sadd.s32 s0, s3;
	s0 =	sld [smem:$0x3FA0]  }
0x30: {  	s3 =	sld [smem:$0x3FA3]  }
0x31: {  	[smem:$0x3FAC] =	sst s10  }
0x32: {  	s10 =	sld [smem:$0x3FAA];
	_ =	sdelay $0x3  }
0x33: {  	p0 =	seq.s32 s10, $0x1;
	s10 =	sld [smem:$0x3FAC];
	_ =	sdelay $0x3  }
0x34: {  	[smem:$0x3FAC] =	sst s10  }
0x35: {  	s10 =	sld [smem:$0x3FAB];
	_ =	sdelay $0x3  }
0x36: {  	p1 =	seq.s32 s10, $0x1;
	s10 =	sld [smem:$0x3FAC];
	_ =	sdelay $0x3  }
0x37: {  	[smem:$0x3FAC] =	sst s10  }
0x38: {  	s10 =	sld [smem:$0x3FAD]  }
0x39: {  	_ = 	snop;
	(pc) =	sbr.ind lr, $3  }
0x3a: {  	_ = 	snop  }
0x3b: {  	_ = 	snop  }
0x3c: {  	p2 =	seq.s32 s10, $0x1;
	s10 =	sld [smem:$0x3FAC]  }
0x3d: {  	_ =	shalt  }
0x3e: {  	_ =	shalt  }
0x3f: {  	_ =	shalt  }
0x40: {  	_ =	shalt  }
0x41: {  	_ =	shalt  }
0x42: {  	_ =	shalt  }
0x43: {  	_ =	shalt  }
0x44: {  	_ =	shalt  }
0x45: {  	_ =	shalt  }
0x46: {  	_ =	shalt  }
0x47: {  	_ =	shalt  }
0x48: {  	_ =	shalt  }
0x49: {  	_ =	shalt  }
0x4a: {  	_ =	shalt  }
0x4b: {  	_ =	shalt  }
0x4c: {  	_ =	shalt  }
0x4d: {  	_ =	shalt  }
0x4e: {  	_ =	shalt  }
0x4f: {  	_ =	shalt  }
0x50: {  	_ =	shalt  }
0x51: {  	_ =	shalt  }
0x52: {  	_ =	shalt  }
0x53: {  	_ =	shalt  }
0x54: {  	_ =	shalt  }
0x55: {  	_ =	shalt  }
0x56: {  	_ =	shalt  }
0x57: {  	_ =	shalt  }
0x58: {  	_ =	shalt  }
0x59: {  	_ =	shalt  }
0x5a: {  	_ =	shalt  }
0x5b: {  	_ =	shalt  }
0x5c: {  	_ =	shalt  }
0x5d: {  	_ =	shalt  }
0x5e: {  	_ =	shalt  }
0x5f: {  	_ =	shalt  }
0x60: {  	_ =	shalt  }
0x61: {  	_ =	shalt  }
0x62: {  	_ =	shalt  }
0x63: {  	_ =	shalt  }
0x64: {  	_ =	shalt  }
0x65: {  	_ =	shalt  }
0x66: {  	_ =	shalt  }
0x67: {  	_ =	shalt  }
0x68: {  	_ =	shalt  }
0x69: {  	_ =	shalt  }
0x6a: {  	_ =	shalt  }
0x6b: {  	_ =	shalt  }
0x6c: {  	_ =	shalt  }
0x6d: {  	_ =	shalt  }
0x6e: {  	_ =	shalt  }
0x6f: {  	_ =	shalt  }
0x70: {  	_ =	shalt  }
0x71: {  	_ =	shalt  }
0x72: {  	_ =	shalt  }
0x73: {  	_ =	shalt  }
0x74: {  	_ =	shalt  }
0x75: {  	_ =	shalt  }
0x76: {  	_ =	shalt  }
0x77: {  	_ =	shalt  }
0x78: {  	_ =	shalt  }
0x79: {  	_ =	shalt  }
0x7a: {  	_ =	shalt  }
0x7b: {  	_ =	shalt  }
0x7c: {  	_ =	shalt  }
0x7d: {  	_ =	shalt  }
0x7e: {  	_ =	shalt  }
0x7f: {  	_ =	shalt  }
0x80: {  	_ =	shalt  }
0x81: {  	_ =	shalt  }
0x82: {  	_ =	shalt  }
0x83: {  	_ =	shalt  }
0x84: {  	_ =	shalt  }
0x85: {  	_ =	shalt  }
0x86: {  	_ =	shalt  }
0x87: {  	_ =	shalt  }
.Lfunc_end0:
.L_simem_size_0:
called_computation_lowered:
.L_overlay_start_0:
0x88: {  	s2 =	sld [smem:$0x3FD9]  }
0x89: {  	s3 =	sld [smem:$0x3FFE];
	_ =	sdelay $0x1  }
0x8a: {  	s1 =	srdreg.scid  }
0x8b: {  	s0 =	sand.u32 $0x1, s1  }
0x8c: {  	s16 =	sshll.u32 s0, $0xA;
	s2 =	sadd.s32 s3, s2  }
0x8d: {  	s2 =	sadd.s32 s2, s16  }
0x8e: {  	[smem:$0x3FB8] =	sst s2  }
0x8f: {  	_ = 	snop  }
0x90: {  	(tm) =	ssettm $0x1  }
0x91: {  	s17 =	sld [smem:$0x3FFB];
	_ =	sdelay $0x3  }
0x92: {  	_ =	strace s17  }
0x93: {  	s2 =	sld [smem:$0x3FFC];
	_ =	sdelay $0x3  }
0x94: {  	_ =	strace s2  }
0x95: {  	s2 =	sld [smem:$0x3FFD];
	_ =	sdelay $0x3  }
0x96: {  	_ =	strace s2  }
0x97: {  	_ =	strace $0x8FFFFFFF  }
0x98: {  	s18 =	sld [smem:$0x3FDB];
	_ =	sdelay $0x1  }
0x99: {  	s19 =	simm.s32 $_scs_section_size  }
0x9a: {  	s4 =	simm.s32 $_size__tile_overlayer_lowered;
	s5 =	simm.s32 $_tile_overlayer_lowered  }
0x9b: {  	s22 =	simm.s32 $0x1BFF;
	s21 =	sshll.u32 s5, $0x1;
	s2 =	sadd.s32 s19, s18  }
0x9c: {  	s6 =	simm.s32 $0x0;
	s20 =	sshll.u32 s4, $0x1;
	s4 =	sadd.s32 s21, s2  }
0x9d: {  	[timem:s6], [sflag:s22] =	dma.local [hbm:s4], s20  }
0x9e: {  	_ =	swait.ge [sflag:s22], s20  }
0x9f: {  	s3 =	ssub.s32 $0x0, s20;
	[sflag:s22] =	ssyncset.done $0x0  }
0xa0: {  	[sflag:s22] =	ssyncadd.s32 s3;
	_ =	sdelay $0x1  }
0xa1: {  	s23 =	simm.s32 $0x1B8B  }
0xa2: {  	_ =	swait.ge [sflag:s23], $0x1  }
0xa3: {  	[sflag:s23] =	ssyncset.done $0x0  }
0xa4: {  	s25 =	simm.s32 $0x1B8E;
	s24 =	sld [smem:$0x3FFE];
	[sflag:s23] =	ssyncadd.s32 $0xFFFFFFFF  }
0xa5: {  	s26 =	simm.s32 $execute0_lowered;
	[smem:$0x3FD2] =	sst s25  }
0xa6: {  	s4 =	sshll.u32 s26, $0x1;
	_ =	strace $0x80000046;
	[dreg:$0x1] =	wrdreg $0xFFFFFFFF  }
0xa7: {  	s28 =	simm.s32 $_size_execute0_lowered;
	s2 =	sadd.s32 s2, s4;
	[dreg:$0x0] =	wrdreg $0x0  }
0xa8: {  	s4 =	sshll.u32 s28, $0x1;
	[dreg:$0x2] =	wrdreg s2  }
0xa9: {  	[dreg:$0x3] =	wrdreg s4  }
0xaa: {  	[dreg:$0x4] =	wrdreg $0xC0  }
0xab: {  	_ =	task [dreg:s6], $0x5FFFF  }
0xac: {  	[dreg:$0x1] =	wrdreg $0xFFFFFFFF  }
0xad: {  	[dreg:$0x0] =	wrdreg $0x60  }
0xae: {  	[dreg:$0x2] =	wrdreg s24  }
0xaf: {  	[dreg:$0x3] =	wrdreg $0x90000  }
0xb0: {  	[dreg:$0x4] =	wrdreg $0x9  }
0xb1: {  	_ =	task.clear_ibuf [dreg:s6], $0x5FFFF;
	_ =	strace $0x90000046  }
0xb2: {  	s29 =	simm.s32 $0x9;
	_ =	strace $0x80000048  }
0xb3: {  	_ =	swait.ge [sflag:s29], $0x1  }
0xb4: {  	[sflag:s29] =	ssyncadd.s32 $0xFFFFFFFF  }
0xb5: {  	_ =	strace $0x90000048  }
0xb6: {  	_ =	sfence  }
0xb7: {  	s30 =	sld [smem:$0x0];
	_ =	sdelay $0x2  }
0xb8: {  	s31 =	sshll.u32 s1, $0xD;
	s1 =	sshrl.u32 s1, $0x2  }
0xb9: {  	s3 =	sand.u32 $0x4000, s31;
	s1 =	sadd.s32 s1, s30  }
0xba: {  	s0 =	sor.u32 s3, s0;
	s1 =	sshll.u32 s1, $0x11  }
0xbb: {  	s0 =	sor.u32 s1, s0  }
0xbc: {  	s0 =	sadd.s32 $0x8F2B, s0  }
0xbd: {  	[sflag:s0] =	ssyncadd.remote.s32 $0x1  }
0xbe: {  	_ =	sfence.sel $0xFFFF  }
0xbf: {  	[dreg:$0x0] =	wrdreg $0xFFFFFFFF;
	(pc) =	sbr.abs _section_cstart, $3  }
0xc0: {  	[dreg:$0x1] =	wrdreg $0xFFFFFFFF  }
0xc1: {  	_ =	task.clear_ibuf [dreg:s6], $0x2FFFF;
	_ =	strace $0x9FFFFFFF  }
0xc2: {  	(tm) =	ssettm $0x7FFFFFFF  }
0xc3: {  	_ =	shalt  }
tec
execute0_lowered:
.L_overlay_start_1:
0x0: {  	(tag) =	ssettag $0x1  }
0x1: {  	s5 =	rddreg [dreg:$0x0]  }
0x2: {  	s1 =	rddreg [dreg:$0x1]  }
0x3: {  	s2 =	srdreg.scid;
	s0 =	rddreg [dreg:$0x2]  }
0x4: {  	s22 =	stileid.u32;
	s11 =	simm.s32 $0x2800;
	s12 =	simm.s32 $0x40  }
0x5: {  	s13 =	simm.s32 $0x5000;
	s14 =	simm.s32 $0x7000;
	s15 =	simm.s32 $0x1  }
0x6: {  	s16 =	simm.s32 $0x2;
	s17 =	simm.s32 $0x4F00;
	s18 =	simm.s32 $0x4F40  }
0x7: {  	s19 =	simm.s32 $0x4F80;
	s20 =	simm.s32 $0x27C0;
	s21 =	simm.s32 $0x4FC0  }
0x8: {  	s24 =	simm.s32 $0x0;
	s4 =	sand.u32 $0x1, s2;
	s2 =	simm.s32 $0x0  }
0x9: {  	s8 =	smul.u32 $0x14000, s22;
	p0 =	sne.s32 s22, $0x0;
	s3 =	sshll.u32 s4, $0x4  }
0xa: {  	s6 =	smul.u32 $0x140000, s4;
	[smem:$0x7FF] =	sst s2;
	s9 =	ssub.s32 $0x2, s4  }
0xb: {  	s4 =	sadd.s32 $0x3E800, s5;
	s3 =	sor.u32 s22, s3;
	_ =	strace $0x80000047  }
0xc: {  	s31 =	sshrl.u32 s9, $0x1;
	s23 =	sadd.s32 s8, s1;
	s22 =	sshll.u32 s22, $0x6  }
0xd: {  	s7 =	smul.u32 $0x500, s3;
	s3 =	sadd.s32 $0x16800, s5;
	s6 =	sadd.s32 s8, s6  }
0xe: {  	s9 =	ssub.s32 s9, s31;
	s22 =	sor.u32 $0x1C03, s22;
	s23 =	sshrl.u32 s23, $0x3  }
0xf: {  	s6 =	sshrl.u32 s6, $0x3;
	s8 =	smax.u32 s9, $0x1;
	s7 =	sadd.s32 s7, s5  }
0x10: {  	s9 =	sshrl.u32 @!p0 s1, $0x3;
	s10 =	sadd.s32 s6, s5;
	s5 =	sadd.s32 $0xC800, s7  }
0x11: {  	s6 =	sadd.s32 $0x2800, s7;
	s7 =	sadd.s32 $0x66800, s10;
	s10 =	simm.s32 $0x3  }
.LBB2_1:
0x12: {  	s25 =	simm.s32 @!p0 $0x1C03  }
0x13: {  	[spmem:s9], [sflag:s25] =	dma.local @!p0 [hbm:s4], $0x28000  }
0x14: {  	s25 =	simm.s32 @!p0 $0x3  }
0x15: {  	_ =	swait.ge @!p0 [sflag:s25], $0x28000  }
0x16: {  	[sflag:s25] =	ssyncset.done @!p0 $0x0  }
0x17: {  	[sflag:s25] =	ssyncadd.s32 @!p0 $0xFFFD8000  }
0x18: {  	[tilespmem:s2], [sflag:$0x3] =	stream.linear.gather [hbm4b:s5+s2], $0x2800, $0x38;
	[tilespmem:$0x1D000] =	vst v63  }
0x19: {  	_ =	swait.ge [sflag:s10], $0x2800  }
0x1a: {  	[sflag:s10] =	ssyncset.done $0x0  }
0x1b: {  	[sflag:s10] =	ssyncadd.s32 $0xFFFFD800  }
0x1c: {  	[tilespmem:s11], [sflag:$0x3] =	stream.linear.gather [hbm4b:s6+s2], $0x2800, $0x38;
	[tilespmem:$0x1D000] =	vst v63  }
0x1d: {  	_ =	swait.ge [sflag:s10], $0x2800  }
0x1e: {  	[sflag:s10] =	ssyncset.done $0x0  }
0x1f: {  	[sflag:s10] =	ssyncadd.s32 $0xFFFFD800  }
0x20: {  	[bflag:$0x0] =	sbarrier.arrive $0xFFFF  }
0x21: {  	[tilespmem:s13], [sflag:$0x1] =	stream.indirect.gather [hbm4b:s3+s12], $0x80, s2, s12, $0xb8;
	[tilespmem:$0x1D000] =	vst v63  }
0x22: {  	_ = 	snop  }
0x23: {  	[tilespmem:s14], [sflag:$0x2] =	stream.indirect.gather [hbm4b:s3+s12], $0x80, s12, s12, $0xb8;
	[tilespmem:$0x1D000] =	vst v63  }
0x24: {  	_ =	swait.ge [sflag:s15], $0x2000  }
0x25: {  	[sflag:s15] =	ssyncset.done $0x0  }
0x26: {  	s29 =	simm.s32 $0x2800;
	[sflag:s15] =	ssyncadd.s32 $0xFFFFE000  }
0x27: {  	[spmem:s1] =	stream.indirect.scatter.add.f32 [tilespmem:s13], [sflag:$0x3], $0x80, s29, s12, $0xb8;
	[tilespmem:$0x1D000] =	vst v63  }
0x28: {  	_ =	swait.ge [sflag:s10], $0x2000  }
0x29: {  	[sflag:s10] =	ssyncset.done $0x0  }
0x2a: {  	s30 =	simm.s32 $0x80;
	[sflag:s10] =	ssyncadd.s32 $0xFFFFE000  }
0x2b: {  	[tilespmem:s13], [sflag:$0x1] =	stream.indirect.gather [hbm4b:s3+s12], $0x80, s30, s12, $0xb8;
	[tilespmem:$0x1D000] =	vst v63  }
0x2c: {  	_ =	swait.ge [sflag:s16], $0x2000  }
0x2d: {  	[sflag:s16] =	ssyncset.done $0x0  }
0x2e: {  	s31 =	simm.s32 $0x2840;
	[sflag:s16] =	ssyncadd.s32 $0xFFFFE000  }
0x2f: {  	[spmem:s1] =	stream.indirect.scatter.add.f32 [tilespmem:s14], [sflag:$0x3], $0x80, s31, s12, $0xb8;
	[tilespmem:$0x1D000] =	vst v63  }
0x30: {  	_ =	swait.ge [sflag:s10], $0x2000  }
0x31: {  	[sflag:s10] =	ssyncset.done $0x0  }
0x32: {  	s26 =	simm.s32 $0xC0;
	s25 =	simm.s32 $0x200;
	[sflag:s10] =	ssyncadd.s32 $0xFFFFE000  }
.LBB2_2:
0x33: {  	[tilespmem:s14], [sflag:$0x2] =	stream.indirect.gather [hbm4b:s3+s12], $0x80, s26, s12, $0xb8;
	[tilespmem:$0x1D000] =	vst v63  }
0x34: {  	s26 =	smov.u32 s25;
	s25 =	sadd.s32 $0x200, s25;
	_ =	swait.ge [sflag:s15], $0x2000  }
0x35: {  	s26 =	sshra.s32 s26, $0x2;
	p1 =	sne.s32 s25, $0x9C00;
	[sflag:s15] =	ssyncset.done $0x0  }
0x36: {  	s28 =	sadd.s32 $0x2800, s26;
	[sflag:s15] =	ssyncadd.s32 $0xFFFFE000  }
0x37: {  	[spmem:s1] =	stream.indirect.scatter.add.f32 [tilespmem:s13], [sflag:$0x3], $0x80, s28, s12, $0xb8;
	[tilespmem:$0x1D000] =	vst v63  }
0x38: {  	_ =	swait.ge [sflag:s10], $0x2000  }
0x39: {  	[sflag:s10] =	ssyncset.done $0x0  }
0x3a: {  	s28 =	sadd.s32 $0x80, s26;
	[sflag:s10] =	ssyncadd.s32 $0xFFFFE000  }
0x3b: {  	[tilespmem:s13], [sflag:$0x1] =	stream.indirect.gather [hbm4b:s3+s12], $0x80, s28, s12, $0xb8;
	[tilespmem:$0x1D000] =	vst v63  }
0x3c: {  	_ =	swait.ge [sflag:s16], $0x2000  }
0x3d: {  	[sflag:s16] =	ssyncset.done $0x0  }
.Ltmp0:
0x3e: {  	s28 =	sadd.s32 $0x2840, s26;
	[sflag:s16] =	ssyncadd.s32 $0xFFFFE000;
	(pc) =	sbr.rel @p1 .LBB2_2-.Ltmp0, $4  }
0x3f: {  	[spmem:s1] =	stream.indirect.scatter.add.f32 [tilespmem:s14], [sflag:$0x3], $0x80, s28, s12, $0xb8;
	[tilespmem:$0x1D000] =	vst v63  }
0x40: {  	_ =	swait.ge [sflag:s10], $0x2000  }
0x41: {  	[sflag:s10] =	ssyncset.done $0x0  }
0x42: {  	s26 =	sadd.s32 $0xC0, s26;
	[sflag:s10] =	ssyncadd.s32 $0xFFFFE000  }
0x43: {  	[tilespmem:s14], [sflag:$0x2] =	stream.indirect.gather [hbm4b:s3+s12], $0x80, s26, s12, $0xb8;
	[tilespmem:$0x1D000] =	vst v63  }
0x44: {  	_ =	swait.ge [sflag:s15], $0x2000  }
0x45: {  	[sflag:s15] =	ssyncset.done $0x0  }
0x46: {  	[sflag:s15] =	ssyncadd.s32 $0xFFFFE000  }
0x47: {  	[spmem:s1] =	stream.indirect.scatter.add.f32 [tilespmem:s13], [sflag:$0x3], $0x80, s17, s12, $0xb8;
	[tilespmem:$0x1D000] =	vst v63  }
0x48: {  	_ =	swait.ge [sflag:s10], $0x2000  }
0x49: {  	s25 =	sshra.s32 s25, $0x2;
	[sflag:s10] =	ssyncset.done $0x0  }
0x4a: {  	s31 =	sadd.s32 $0x80, s25;
	[sflag:s10] =	ssyncadd.s32 $0xFFFFE000  }
0x4b: {  	[tilespmem:s13], [sflag:$0x1] =	stream.indirect.gather [hbm4b:s3+s12], $0x80, s31, s12, $0xb8;
	[tilespmem:$0x1D000] =	vst v63  }
0x4c: {  	_ =	swait.ge [sflag:s16], $0x2000  }
0x4d: {  	[sflag:s16] =	ssyncset.done $0x0  }
0x4e: {  	[sflag:s16] =	ssyncadd.s32 $0xFFFFE000  }
0x4f: {  	[spmem:s1] =	stream.indirect.scatter.add.f32 [tilespmem:s14], [sflag:$0x3], $0x80, s18, s12, $0xb8;
	[tilespmem:$0x1D000] =	vst v63  }
0x50: {  	_ =	swait.ge [sflag:s10], $0x2000  }
0x51: {  	[sflag:s10] =	ssyncset.done $0x0  }
0x52: {  	s25 =	sadd.s32 $0xC0, s25;
	[sflag:s10] =	ssyncadd.s32 $0xFFFFE000  }
0x53: {  	[tilespmem:s14], [sflag:$0x2] =	stream.indirect.gather [hbm4b:s3+s12], $0x80, s25, s12, $0xb8;
	[tilespmem:$0x1D000] =	vst v63  }
0x54: {  	_ =	swait.ge [sflag:s15], $0x2000  }
0x55: {  	[sflag:s15] =	ssyncset.done $0x0  }
0x56: {  	[sflag:s15] =	ssyncadd.s32 $0xFFFFE000  }
0x57: {  	[spmem:s1] =	stream.indirect.scatter.add.f32 [tilespmem:s13], [sflag:$0x3], $0x80, s19, s12, $0xb8;
	[tilespmem:$0x1D000] =	vst v63  }
0x58: {  	_ =	swait.ge [sflag:s10], $0x2000  }
0x59: {  	[sflag:s10] =	ssyncset.done $0x0  }
0x5a: {  	[sflag:s10] =	ssyncadd.s32 $0xFFFFE000  }
0x5b: {  	[tilespmem:s13], [sflag:$0x1] =	stream.indirect.gather [hbm4b:s3+s12], $0x80, s20, s12, $0xb8;
	[tilespmem:$0x1D000] =	vst v63  }
0x5c: {  	_ =	swait.ge [sflag:s16], $0x2000  }
0x5d: {  	[sflag:s16] =	ssyncset.done $0x0  }
0x5e: {  	[sflag:s16] =	ssyncadd.s32 $0xFFFFE000  }
0x5f: {  	[spmem:s1] =	stream.indirect.scatter.add.f32 [tilespmem:s14], [sflag:$0x3], $0x80, s21, s12, $0xb8;
	[tilespmem:$0x1D000] =	vst v63  }
0x60: {  	_ =	swait.ge [sflag:s10], $0x2000  }
0x61: {  	[sflag:s10] =	ssyncset.done $0x0  }
0x62: {  	[sflag:s10] =	ssyncadd.s32 $0xFFFFE000  }
0x63: {  	[tilespmem:s14], [sflag:$0x2] =	stream.indirect.gather [hbm4b:s3+s12], $0x80, s20, s12, $0xb8;
	[tilespmem:$0x1D000] =	vst v63  }
0x64: {  	_ =	swait.ge [sflag:s15], $0x2000  }
0x65: {  	[sflag:s15] =	ssyncset.done $0x0  }
0x66: {  	[sflag:s15] =	ssyncadd.s32 $0xFFFFE000  }
0x67: {  	_ =	swait.ge [sflag:s16], $0x2000  }
0x68: {  	s24 =	sadd.s32 $0x1, s24;
	[sflag:s16] =	ssyncset.done $0x0  }
0x69: {  	p1 =	sne.s32 s24, s8;
	[sflag:s16] =	ssyncadd.s32 $0xFFFFE000  }
.Ltmp1:
0x6a: {  	[bflag:$0x0] =	sbarrier.arrive $0xFFFF;
	(pc) =	sbr.rel @p1 .LBB2_1-.Ltmp1, $4  }
0x6b: {  	[hbm:s7], [sflag:s22] =	dma.local [spmem:s23], $0x2800  }
0x6c: {  	_ =	swait.ge [sflag:s10], $0x2800  }
0x6d: {  	[sflag:s10] =	ssyncset.done $0x0  }
0x6e: {  	[sflag:s10] =	ssyncadd.s32 $0xFFFFD800  }
0x6f: {  	_ =	sfence.sel $0x180000  }
0x70: {  	[bflag:$0x0] =	sbarrier.arrive $0xFFFF  }
0x71: {  	_ =	strace $0x90000047  }
0x72: {  	s0 =	sadd.s32 @!p0 $0x100000, s0;
	[bflag:$0x2] =	sbarrier.arrive $0xFFFF  }
0x73: {  	[sflag:s0] =	ssyncadd.tile.s32 @!p0 $0x1;
	_ =	shalt  }
.Lfunc_end2:
_tile_overlayer_lowered:
.L_overlay_start_2:
0x74: {  	(tag) =	ssettag $0x2  }
0x75: {  	s0 =	rddreg [dreg:$0x0];
	s2 =	stileid.u32  }
0x76: {  	s1 =	rddreg [dreg:$0x1];
	p0 =	sne.s32 s2, $0x0  }
0x77: {  	s3 =	rddreg [dreg:$0x2];
	[bflag:$0x3] =	sbarrier.arrive $0xFFFF;
	s2 =	simm.s32 @!p0 $0x1C03  }
0x78: {  	[timem:s3], [sflag:s2] =	dma.local @!p0 [hbm:s0], s1  }
0x79: {  	s0 =	simm.s32 @!p0 $0x3  }
0x7a: {  	_ =	swait.ge @!p0 [sflag:s0], s1  }
0x7b: {  	s1 =	ssub.s32 @!p0 $0x0, s1;
	[sflag:s0] =	ssyncset.done @!p0 $0x0  }
0x7c: {  	[sflag:s0] =	ssyncadd.s32 @!p0 s1  }
0x7d: {  	[bflag:$0x3] =	sbarrier.arrive $0xFFFF  }
0x7e: {  	_ =	shalt  }

// kernel: kernel.9.cloned.1.call-start
scs
__scs_entry_jumppad:
0x0: {  	(pc) =	sbr.rel $0x88, $3  }
0x1: {  	(tag) =	ssettag $0x0;
	lr =	simm.s32 $0x1  }
0x2: {  	[smem:$0x3F91] =	sst lr;
	_ =	strace $0xD0000000  }
0x3: {  	_ = 	snop  }
0x4: {  	_ = 	snop  }
0x5: {  	_ = 	snop  }
0x6: {  	_ = 	snop  }
0x7: {  	_ = 	snop  }
__scs_overlays_trampoline_lowered:
0x8: {  	[smem:$0x3FA0] =	sst s0  }
0x9: {  	[smem:$0x3FA1] =	sst s1  }
0xa: {  	[smem:$0x3FA2] =	sst s2  }
0xb: {  	[smem:$0x3FA3] =	sst s3  }
0xc: {  	[smem:$0x3FA4] =	sst s4  }
0xd: {  	[smem:$0x3FA5] =	sst s5  }
0xe: {  	[smem:$0x3FA6] =	sst s6  }
0xf: {  	[smem:$0x3FA7] =	sst s7  }
0x10: {  	[smem:$0x3FA8] =	sst s8  }
0x11: {  	[smem:$0x3FA9] =	sst s9;
	s0 =	simm.s32 @!p0 $0x0  }
0x12: {  	s1 =	sld [smem:$0x3F8F];
	s0 =	simm.s32 @p0 $0x1  }
0x13: {  	[smem:$0x3FAA] =	sst s0;
	s0 =	simm.s32 @!p1 $0x0  }
0x14: {  	s2 =	sld [smem:$0x3F8E];
	s0 =	simm.s32 @p1 $0x1  }
0x15: {  	[smem:$0x3FAB] =	sst s0;
	s0 =	simm.s32 @!p2 $0x0  }
0x16: {  	s3 =	sld [smem:$0x3FDB];
	s0 =	simm.s32 @p2 $0x1  }
0x17: {  	s4 =	simm.s32 $0x1BF5;
	[smem:$0x3FAD] =	sst s0  }
0x18: {  	s0 =	sld [smem:$0x3F90];
	_ =	swait.ge [sflag:s4], $0x0  }
0x19: {  	s7 =	sld [smem:$0x3F91]  }
0x1a: {  	s8 =	sadd.s32 $0xFFFFE003, lr  }
0x1b: {  	s9 =	sadd.s32 $0xFFFFFEF7, lr;
	s5 =	simm.s32 $0xFFFFFFFF;
	p2 =	slt.u32 s8, $0xFFFFF086  }
0x1c: {  	p1 =	slt.u32 s9, $0xF7A;
	s5 =	simm.s32 @!p2 $0x0  }
0x1d: {  	s5 =	simm.s32 @p1 $0x1;
	p0 =	seq.s32 s7, s2  }
0x1e: {  	s7 =	smul.u32 @!p0 $0xF7A, s2;
	p2 =	seq.s32 @!p0 s5, $0x0  }
0x1f: {  	s9 =	smul.u32 $0xF7A, s1;
	s8 =	simm.s32 @!p0 $0x1BF5;
	p2 =	por !p2, p0  }
0x20: {  	[sflag:s8] =	ssyncset.s32 @!p0 $0xFFFFF086;
	s6 =	sadd.s32 @!p0 s3, s7;
	s7 =	simm.s32 @!p0 $0x108  }
0x21: {  	s3 =	sadd.s32 s3, s9;
	s6 =	sadd.s32 @!p0 $0x88, s6;
	s7 =	simm.s32 @p2 $0x1082  }
0x22: {  	[simem:s7], [sflag:s8] =	dma.local @!p0 [hbm:s6], $0xF7A  }
0x23: {  	s9 =	sor.u32 $0xD0000000, s2;
	s6 =	simm.s32 $0x108;
	_ =	swait.ge @!p0 [sflag:s8], $0x0  }
0x24: {  	s3 =	sadd.s32 $0x88, s3;
	s6 =	simm.s32 @!p1 $0x1082;
	[sflag:s4] =	ssyncset.s32 $0xFFFFF086  }
0x25: {  	[simem:s6], [sflag:s4] =	dma.local [hbm:s3], $0xF7A  }
0x26: {  	[smem:$0x3F91] =	sst s1;
	(tag) =	ssettag s2;
	_ =	strace s9  }
0x27: {  	s1 =	sld [smem:$0x3FA1]  }
0x28: {  	s2 =	sld [smem:$0x3FA2]  }
0x29: {  	s4 =	sld [smem:$0x3FA4]  }
0x2a: {  	p0 =	seq.s32 s5, $0x0;
	s5 =	sld [smem:$0x3FA5]  }
0x2b: {  	s6 =	sld [smem:$0x3FA6]  }
0x2c: {  	s7 =	sld [smem:$0x3FA7]  }
0x2d: {  	s3 =	simm.s32 $0x108;
	s8 =	sld [smem:$0x3FA8]  }
0x2e: {  	s3 =	simm.s32 @!p0 $0x1082;
	s9 =	sld [smem:$0x3FA9]  }
0x2f: {  	lr =	sadd.s32 s0, s3;
	s0 =	sld [smem:$0x3FA0]  }
0x30: {  	s3 =	sld [smem:$0x3FA3]  }
0x31: {  	[smem:$0x3FAC] =	sst s10  }
0x32: {  	s10 =	sld [smem:$0x3FAA];
	_ =	sdelay $0x3  }
0x33: {  	p0 =	seq.s32 s10, $0x1;
	s10 =	sld [smem:$0x3FAC];
	_ =	sdelay $0x3  }
0x34: {  	[smem:$0x3FAC] =	sst s10  }
0x35: {  	s10 =	sld [smem:$0x3FAB];
	_ =	sdelay $0x3  }
0x36: {  	p1 =	seq.s32 s10, $0x1;
	s10 =	sld [smem:$0x3FAC];
	_ =	sdelay $0x3  }
0x37: {  	[smem:$0x3FAC] =	sst s10  }
0x38: {  	s10 =	sld [smem:$0x3FAD]  }
0x39: {  	_ = 	snop;
	(pc) =	sbr.ind lr, $3  }
0x3a: {  	_ = 	snop  }
0x3b: {  	_ = 	snop  }
0x3c: {  	p2 =	seq.s32 s10, $0x1;
	s10 =	sld [smem:$0x3FAC]  }
0x3d: {  	_ =	shalt  }
0x3e: {  	_ =	shalt  }
0x3f: {  	_ =	shalt  }
0x40: {  	_ =	shalt  }
0x41: {  	_ =	shalt  }
0x42: {  	_ =	shalt  }
0x43: {  	_ =	shalt  }
0x44: {  	_ =	shalt  }
0x45: {  	_ =	shalt  }
0x46: {  	_ =	shalt  }
0x47: {  	_ =	shalt  }
0x48: {  	_ =	shalt  }
0x49: {  	_ =	shalt  }
0x4a: {  	_ =	shalt  }
0x4b: {  	_ =	shalt  }
0x4c: {  	_ =	shalt  }
0x4d: {  	_ =	shalt  }
0x4e: {  	_ =	shalt  }
0x4f: {  	_ =	shalt  }
0x50: {  	_ =	shalt  }
0x51: {  	_ =	shalt  }
0x52: {  	_ =	shalt  }
0x53: {  	_ =	shalt  }
0x54: {  	_ =	shalt  }
0x55: {  	_ =	shalt  }
0x56: {  	_ =	shalt  }
0x57: {  	_ =	shalt  }
0x58: {  	_ =	shalt  }
0x59: {  	_ =	shalt  }
0x5a: {  	_ =	shalt  }
0x5b: {  	_ =	shalt  }
0x5c: {  	_ =	shalt  }
0x5d: {  	_ =	shalt  }
0x5e: {  	_ =	shalt  }
0x5f: {  	_ =	shalt  }
0x60: {  	_ =	shalt  }
0x61: {  	_ =	shalt  }
0x62: {  	_ =	shalt  }
0x63: {  	_ =	shalt  }
0x64: {  	_ =	shalt  }
0x65: {  	_ =	shalt  }
0x66: {  	_ =	shalt  }
0x67: {  	_ =	shalt  }
0x68: {  	_ =	shalt  }
0x69: {  	_ =	shalt  }
0x6a: {  	_ =	shalt  }
0x6b: {  	_ =	shalt  }
0x6c: {  	_ =	shalt  }
0x6d: {  	_ =	shalt  }
0x6e: {  	_ =	shalt  }
0x6f: {  	_ =	shalt  }
0x70: {  	_ =	shalt  }
0x71: {  	_ =	shalt  }
0x72: {  	_ =	shalt  }
0x73: {  	_ =	shalt  }
0x74: {  	_ =	shalt  }
0x75: {  	_ =	shalt  }
0x76: {  	_ =	shalt  }
0x77: {  	_ =	shalt  }
0x78: {  	_ =	shalt  }
0x79: {  	_ =	shalt  }
0x7a: {  	_ =	shalt  }
0x7b: {  	_ =	shalt  }
0x7c: {  	_ =	shalt  }
0x7d: {  	_ =	shalt  }
0x7e: {  	_ =	shalt  }
0x7f: {  	_ =	shalt  }
0x80: {  	_ =	shalt  }
0x81: {  	_ =	shalt  }
0x82: {  	_ =	shalt  }
0x83: {  	_ =	shalt  }
0x84: {  	_ =	shalt  }
0x85: {  	_ =	shalt  }
0x86: {  	_ =	shalt  }
0x87: {  	_ =	shalt  }
.Lfunc_end0:
.L_simem_size_0:
called_computation.1_lowered:
.L_overlay_start_0:
0x88: {  	s2 =	sld [smem:$0x3FD9]  }
0x89: {  	s3 =	sld [smem:$0x3FFE];
	_ =	sdelay $0x1  }
0x8a: {  	s1 =	srdreg.scid  }
0x8b: {  	s0 =	sand.u32 $0x1, s1  }
0x8c: {  	s16 =	sshll.u32 s0, $0xA;
	s2 =	sadd.s32 s3, s2  }
0x8d: {  	s2 =	sadd.s32 s2, s16  }
0x8e: {  	[smem:$0x3FB8] =	sst s2  }
0x8f: {  	_ = 	snop  }
0x90: {  	(tm) =	ssettm $0x1  }
0x91: {  	s17 =	sld [smem:$0x3FFB];
	_ =	sdelay $0x3  }
0x92: {  	_ =	strace s17  }
0x93: {  	s2 =	sld [smem:$0x3FFC];
	_ =	sdelay $0x3  }
0x94: {  	_ =	strace s2  }
0x95: {  	s2 =	sld [smem:$0x3FFD];
	_ =	sdelay $0x3  }
0x96: {  	_ =	strace s2  }
0x97: {  	_ =	strace $0x8FFFFFFF  }
0x98: {  	s18 =	sld [smem:$0x3FDB];
	_ =	sdelay $0x1  }
0x99: {  	s19 =	simm.s32 $_scs_section_size  }
0x9a: {  	s4 =	simm.s32 $_size__tile_overlayer_lowered;
	s5 =	simm.s32 $_tile_overlayer_lowered  }
0x9b: {  	s22 =	simm.s32 $0x1BFF;
	s21 =	sshll.u32 s5, $0x1;
	s2 =	sadd.s32 s19, s18  }
0x9c: {  	s6 =	simm.s32 $0x0;
	s20 =	sshll.u32 s4, $0x1;
	s4 =	sadd.s32 s21, s2  }
0x9d: {  	[timem:s6], [sflag:s22] =	dma.local [hbm:s4], s20  }
0x9e: {  	_ =	swait.ge [sflag:s22], s20  }
0x9f: {  	s3 =	ssub.s32 $0x0, s20;
	[sflag:s22] =	ssyncset.done $0x0  }
0xa0: {  	[sflag:s22] =	ssyncadd.s32 s3;
	_ =	sdelay $0x1  }
0xa1: {  	s23 =	simm.s32 $0x1B8B  }
0xa2: {  	_ =	swait.ge [sflag:s23], $0x1  }
0xa3: {  	[sflag:s23] =	ssyncset.done $0x0  }
0xa4: {  	s25 =	simm.s32 $0x1B8E;
	s24 =	sld [smem:$0x3FFE];
	[sflag:s23] =	ssyncadd.s32 $0xFFFFFFFF  }
0xa5: {  	s26 =	simm.s32 $execute0_lowered;
	[smem:$0x3FD2] =	sst s25  }
0xa6: {  	s4 =	sshll.u32 s26, $0x1;
	_ =	strace $0x80000049;
	[dreg:$0x1] =	wrdreg $0xFFFFFFFF  }
0xa7: {  	s28 =	simm.s32 $_size_execute0_lowered;
	s2 =	sadd.s32 s2, s4;
	[dreg:$0x0] =	wrdreg $0x0  }
0xa8: {  	s4 =	sshll.u32 s28, $0x1;
	[dreg:$0x2] =	wrdreg s2  }
0xa9: {  	[dreg:$0x3] =	wrdreg s4  }
0xaa: {  	[dreg:$0x4] =	wrdreg $0xC0  }
0xab: {  	_ =	task [dreg:s6], $0x5FFFF  }
0xac: {  	[dreg:$0x1] =	wrdreg $0xFFFFFFFF  }
0xad: {  	[dreg:$0x0] =	wrdreg $0x60  }
0xae: {  	[dreg:$0x2] =	wrdreg s24  }
0xaf: {  	[dreg:$0x3] =	wrdreg $0x150000  }
0xb0: {  	[dreg:$0x4] =	wrdreg $0x9  }
0xb1: {  	_ =	task.clear_ibuf [dreg:s6], $0x5FFFF;
	_ =	strace $0x90000049  }
0xb2: {  	s29 =	simm.s32 $0x9;
	_ =	strace $0x8000004B  }
0xb3: {  	_ =	swait.ge [sflag:s29], $0x1  }
0xb4: {  	[sflag:s29] =	ssyncadd.s32 $0xFFFFFFFF  }
0xb5: {  	_ =	strace $0x9000004B  }
0xb6: {  	_ =	sfence  }
0xb7: {  	s30 =	sld [smem:$0x0];
	_ =	sdelay $0x2  }
0xb8: {  	s31 =	sshll.u32 s1, $0xD;
	s1 =	sshrl.u32 s1, $0x2  }
0xb9: {  	s3 =	sand.u32 $0x4000, s31;
	s1 =	sadd.s32 s1, s30  }
0xba: {  	s0 =	sor.u32 s3, s0;
	s1 =	sshll.u32 s1, $0x11  }
0xbb: {  	s0 =	sor.u32 s1, s0  }
0xbc: {  	s0 =	sadd.s32 $0x8F2B, s0  }
0xbd: {  	[sflag:s0] =	ssyncadd.remote.s32 $0x1  }
0xbe: {  	_ =	sfence.sel $0xFFFF  }
0xbf: {  	[dreg:$0x0] =	wrdreg $0xFFFFFFFF;
	(pc) =	sbr.abs _section_cstart, $3  }
0xc0: {  	[dreg:$0x1] =	wrdreg $0xFFFFFFFF  }
0xc1: {  	_ =	task.clear_ibuf [dreg:s6], $0x2FFFF;
	_ =	strace $0x9FFFFFFF  }
0xc2: {  	(tm) =	ssettm $0x7FFFFFFF  }
0xc3: {  	_ =	shalt  }
tec
execute0_lowered:
.L_overlay_start_1:
0x0: {  	(tag) =	ssettag $0x1  }
0x1: {  	s0 =	rddreg [dreg:$0x0]  }
0x2: {  	s1 =	rddreg [dreg:$0x1];
	s3 =	srdreg.scid  }
0x3: {  	s2 =	simm.s32 $0x0;
	s9 =	stileid.u32;
	s11 =	simm.s32 $0x9  }
0x4: {  	s13 =	simm.s32 $0x80;
	s14 =	simm.s32 $0x5000;
	s15 =	simm.s32 $0x7000  }
0x5: {  	s17 =	simm.s32 $0x9000;
	s19 =	simm.s32 $0xB000;
	s20 =	simm.s32 $0xD000  }
0x6: {  	s21 =	simm.s32 $0xF000;
	s22 =	simm.s32 $0x11000;
	s23 =	simm.s32 $0x13000  }
0x7: {  	s28 =	simm.s32 $0x3;
	s29 =	simm.s32 $0x4;
	s30 =	simm.s32 $0x5  }
0x8: {  	s31 =	simm.s32 $0x6;
	s12 =	simm.s32 $0x8;
	s16 =	simm.s32 $0x0  }
0x9: {  	s3 =	sand.u32 $0x1, s3;
	[smem:$0x7FF] =	sst s2;
	s6 =	smul.u32 $0xA000, s9  }
0xa: {  	s10 =	sadd.s32 $0x2A800, s0;
	p0 =	sne.s32 s9, $0x0;
	s4 =	sshll.u32 s3, $0x4  }
0xb: {  	s5 =	smul.u32 $0xA0000, s3;
	s3 =	ssub.s32 $0x2, s3;
	s4 =	sor.u32 s9, s4  }
0xc: {  	_ =	strace $0x8000004A;
	s8 =	sshrl.u32 s3, $0x1;
	s7 =	smul.u32 $0x500, s4  }
0xd: {  	[dreg:$0x3] =	wrdreg s10;
	s4 =	sadd.s32 $0x16800, s0;
	s3 =	ssub.s32 s3, s8  }
0xe: {  	s5 =	sadd.s32 s6, s5;
	s3 =	smax.u32 s3, $0x1;
	s7 =	sadd.s32 s7, s0  }
0xf: {  	s5 =	sshrl.u32 s5, $0x3;
	[dreg:$0x7] =	wrdreg s3;
	s24 =	sadd.s32 $0xC800, s7  }
0x10: {  	s0 =	sadd.s32 s5, s0;
	s25 =	sadd.s32 $0x2800, s7;
	[dreg:$0x4] =	wrdreg s24  }
0x11: {  	s10 =	sshrl.u32 @!p0 s1, $0x3;
	s0 =	sadd.s32 $0x3E800, s0;
	[dreg:$0x5] =	wrdreg s25  }
0x12: {  	s26 =	sadd.s32 s6, s1;
	[dreg:$0x6] =	wrdreg s0;
	s24 =	simm.s32 $0x1  }
0x13: {  	s25 =	sshrl.u32 s26, $0x3;
	s26 =	simm.s32 $0x2;
	s0 =	simm.s32 $0x7  }
.LBB2_1:
0x14: {  	s3 =	simm.s32 @!p0 $0x1C09;
	s5 =	rddreg [dreg:$0x3]  }
0x15: {  	[spmem:s10], [sflag:s3] =	dma.local @!p0 [hbm:s5], $0x14000  }
0x16: {  	s3 =	simm.s32 @!p0 $0x9  }
0x17: {  	_ =	swait.ge @!p0 [sflag:s3], $0x14000  }
0x18: {  	[sflag:s3] =	ssyncset.done @!p0 $0x0  }
0x19: {  	s7 =	rddreg [dreg:$0x4];
	[sflag:s3] =	ssyncadd.s32 @!p0 $0xFFFEC000  }
0x1a: {  	[tilespmem:s2], [sflag:$0x9] =	stream.linear.gather [hbm4b:s7+s2], $0x2800, $0x38;
	[tilespmem:$0x1F000] =	vst v63  }
0x1b: {  	_ =	swait.ge [sflag:s11], $0x2800  }
0x1c: {  	[sflag:s11] =	ssyncset.done $0x0  }
0x1d: {  	s9 =	simm.s32 $0x2800;
	s8 =	rddreg [dreg:$0x5];
	[sflag:s11] =	ssyncadd.s32 $0xFFFFD800  }
0x1e: {  	[tilespmem:s9], [sflag:$0x9] =	stream.linear.gather [hbm4b:s8+s2], $0x2800, $0x38;
	[tilespmem:$0x1F000] =	vst v63  }
0x1f: {  	_ =	swait.ge [sflag:s11], $0x2800  }
0x20: {  	[sflag:s11] =	ssyncset.done $0x0  }
0x21: {  	[sflag:s11] =	ssyncadd.s32 $0xFFFFD800  }
0x22: {  	[bflag:$0x0] =	sbarrier.arrive $0xFFFF  }
0x23: {  	[tilespmem:s14], [sflag:$0x1] =	stream.indirect.gather [hbm4b:s4+s13], $0x40, s2, s13, $0xb8;
	[tilespmem:$0x1F000] =	vst v63  }
0x24: {  	_ = 	snop  }
0x25: {  	[tilespmem:s15], [sflag:$0x2] =	stream.indirect.gather [hbm4b:s4+s13], $0x40, s13, s13, $0xb8;
	[tilespmem:$0x1F000] =	vst v63  }
0x26: {  	s18 =	simm.s32 $0x100  }
0x27: {  	[tilespmem:s17], [sflag:$0x3] =	stream.indirect.gather [hbm4b:s4+s13], $0x40, s18, s13, $0xb8;
	[tilespmem:$0x1F000] =	vst v63  }
0x28: {  	s5 =	simm.s32 $0x180  }
0x29: {  	[tilespmem:s19], [sflag:$0x4] =	stream.indirect.gather [hbm4b:s4+s13], $0x40, s5, s13, $0xb8;
	[tilespmem:$0x1F000] =	vst v63  }
0x2a: {  	s6 =	simm.s32 $0x200  }
0x2b: {  	[tilespmem:s20], [sflag:$0x5] =	stream.indirect.gather [hbm4b:s4+s13], $0x40, s6, s13, $0xb8;
	[tilespmem:$0x1F000] =	vst v63  }
0x2c: {  	s7 =	simm.s32 $0x280  }
0x2d: {  	[tilespmem:s21], [sflag:$0x6] =	stream.indirect.gather [hbm4b:s4+s13], $0x40, s7, s13, $0xb8;
	[tilespmem:$0x1F000] =	vst v63  }
0x2e: {  	s8 =	simm.s32 $0x300  }
0x2f: {  	[tilespmem:s22], [sflag:$0x7] =	stream.indirect.gather [hbm4b:s4+s13], $0x40, s8, s13, $0xb8;
	[tilespmem:$0x1F000] =	vst v63  }
0x30: {  	s9 =	simm.s32 $0x380  }
0x31: {  	[tilespmem:s23], [sflag:$0x8] =	stream.indirect.gather [hbm4b:s4+s13], $0x40, s9, s13, $0xb8;
	[tilespmem:$0x1F000] =	vst v63  }
0x32: {  	_ =	swait.ge [sflag:s24], $0x2000  }
0x33: {  	[sflag:s24] =	ssyncset.done $0x0  }
0x34: {  	s18 =	simm.s32 $0x2800;
	[sflag:s24] =	ssyncadd.s32 $0xFFFFE000  }
0x35: {  	[spmem:s1] =	stream.indirect.scatter.add.f32 [tilespmem:s14], [sflag:$0x9], $0x40, s18, s13, $0xb8;
	[tilespmem:$0x1F000] =	vst v63  }
0x36: {  	_ =	swait.ge [sflag:s11], $0x2000  }
0x37: {  	[sflag:s11] =	ssyncset.done $0x0  }
0x38: {  	[sflag:s11] =	ssyncadd.s32 $0xFFFFE000  }
0x39: {  	_ =	swait.ge [sflag:s26], $0x2000  }
0x3a: {  	[sflag:s26] =	ssyncset.done $0x0  }
0x3b: {  	s5 =	simm.s32 $0x2880;
	[sflag:s26] =	ssyncadd.s32 $0xFFFFE000  }
0x3c: {  	[spmem:s1] =	stream.indirect.scatter.add.f32 [tilespmem:s15], [sflag:$0x9], $0x40, s5, s13, $0xb8;
	[tilespmem:$0x1F000] =	vst v63  }
0x3d: {  	_ =	swait.ge [sflag:s11], $0x2000  }
0x3e: {  	[sflag:s11] =	ssyncset.done $0x0  }
0x3f: {  	[sflag:s11] =	ssyncadd.s32 $0xFFFFE000  }
0x40: {  	_ =	swait.ge [sflag:s28], $0x2000  }
0x41: {  	[sflag:s28] =	ssyncset.done $0x0  }
0x42: {  	s6 =	simm.s32 $0x2900;
	[sflag:s28] =	ssyncadd.s32 $0xFFFFE000  }
0x43: {  	[spmem:s1] =	stream.indirect.scatter.add.f32 [tilespmem:s17], [sflag:$0x9], $0x40, s6, s13, $0xb8;
	[tilespmem:$0x1F000] =	vst v63  }
0x44: {  	_ =	swait.ge [sflag:s11], $0x2000  }
0x45: {  	[sflag:s11] =	ssyncset.done $0x0  }
0x46: {  	[sflag:s11] =	ssyncadd.s32 $0xFFFFE000  }
0x47: {  	_ =	swait.ge [sflag:s29], $0x2000  }
0x48: {  	[sflag:s29] =	ssyncset.done $0x0  }
0x49: {  	s7 =	simm.s32 $0x2980;
	s8 =	smin.u32 s2, $0x47;
	[sflag:s29] =	ssyncadd.s32 $0xFFFFE000  }
0x4a: {  	[spmem:s1] =	stream.indirect.scatter.add.f32 [tilespmem:s19], [sflag:$0x9], $0x40, s7, s13, $0xb8;
	[tilespmem:$0x1F000] =	vst v63  }
0x4b: {  	s9 =	sshll.u32 s8, $0x7;
	_ =	swait.ge [sflag:s11], $0x2000  }
0x4c: {  	s3 =	sadd.s32 $0x400, s9;
	s18 =	smin.u32 s2, $0x46;
	[sflag:s11] =	ssyncset.done $0x0  }
0x4d: {  	s5 =	sshll.u32 s18, $0x7;
	s6 =	smin.u32 s2, $0x45;
	[sflag:s11] =	ssyncadd.s32 $0xFFFFE000  }
0x4e: {  	[tilespmem:s14], [sflag:$0x1] =	stream.indirect.gather [hbm4b:s4+s13], $0x40, s3, s13, $0xb8;
	[tilespmem:$0x1F000] =	vst v63  }
0x4f: {  	s8 =	smin.u32 s2, $0x44;
	s5 =	sadd.s32 $0x480, s5;
	s7 =	sshll.u32 s6, $0x7  }
0x50: {  	[tilespmem:s15], [sflag:$0x2] =	stream.indirect.gather [hbm4b:s4+s13], $0x40, s5, s13, $0xb8;
	[tilespmem:$0x1F000] =	vst v63  }
0x51: {  	s18 =	sshll.u32 s8, $0x7;
	s9 =	sadd.s32 $0x500, s7  }
0x52: {  	[tilespmem:s17], [sflag:$0x3] =	stream.indirect.gather [hbm4b:s4+s13], $0x40, s9, s13, $0xb8;
	[tilespmem:$0x1F000] =	vst v63  }
0x53: {  	s6 =	sadd.s32 $0x580, s18  }
0x54: {  	[tilespmem:s19], [sflag:$0x4] =	stream.indirect.gather [hbm4b:s4+s13], $0x40, s6, s13, $0xb8;
	[tilespmem:$0x1F000] =	vst v63  }
0x55: {  	_ =	swait.ge [sflag:s30], $0x2000  }
0x56: {  	[sflag:s30] =	ssyncset.done $0x0  }
0x57: {  	s7 =	simm.s32 $0x2A00;
	[sflag:s30] =	ssyncadd.s32 $0xFFFFE000  }
0x58: {  	[spmem:s1] =	stream.indirect.scatter.add.f32 [tilespmem:s20], [sflag:$0x9], $0x40, s7, s13, $0xb8;
	[tilespmem:$0x1F000] =	vst v63  }
0x59: {  	_ =	swait.ge [sflag:s11], $0x2000  }
0x5a: {  	[sflag:s11] =	ssyncset.done $0x0  }
0x5b: {  	[sflag:s11] =	ssyncadd.s32 $0xFFFFE000  }
0x5c: {  	_ =	swait.ge [sflag:s31], $0x2000  }
0x5d: {  	[sflag:s31] =	ssyncset.done $0x0  }
0x5e: {  	s8 =	simm.s32 $0x2A80;
	[sflag:s31] =	ssyncadd.s32 $0xFFFFE000  }
0x5f: {  	[spmem:s1] =	stream.indirect.scatter.add.f32 [tilespmem:s21], [sflag:$0x9], $0x40, s8, s13, $0xb8;
	[tilespmem:$0x1F000] =	vst v63  }
0x60: {  	_ =	swait.ge [sflag:s11], $0x2000  }
0x61: {  	[sflag:s11] =	ssyncset.done $0x0  }
0x62: {  	[sflag:s11] =	ssyncadd.s32 $0xFFFFE000  }
0x63: {  	_ =	swait.ge [sflag:s0], $0x2000  }
0x64: {  	[sflag:s0] =	ssyncset.done $0x0  }
0x65: {  	s9 =	simm.s32 $0x2B00;
	[sflag:s0] =	ssyncadd.s32 $0xFFFFE000  }
0x66: {  	[spmem:s1] =	stream.indirect.scatter.add.f32 [tilespmem:s22], [sflag:$0x9], $0x40, s9, s13, $0xb8;
	[tilespmem:$0x1F000] =	vst v63  }
0x67: {  	_ =	swait.ge [sflag:s11], $0x2000  }
0x68: {  	[sflag:s11] =	ssyncset.done $0x0  }
0x69: {  	[sflag:s11] =	ssyncadd.s32 $0xFFFFE000  }
0x6a: {  	_ =	swait.ge [sflag:s12], $0x2000  }
0x6b: {  	[sflag:s12] =	ssyncset.done $0x0  }
0x6c: {  	s18 =	simm.s32 $0x2B80;
	s3 =	simm.s32 $0x8;
	[sflag:s12] =	ssyncadd.s32 $0xFFFFE000  }
0x6d: {  	[spmem:s1] =	stream.indirect.scatter.add.f32 [tilespmem:s23], [sflag:$0x9], $0x40, s18, s13, $0xb8;
	[tilespmem:$0x1F000] =	vst v63  }
0x6e: {  	s5 =	simm.s32 $0x2000;
	s18 =	simm.s32 $0x400;
	_ =	swait.ge [sflag:s11], $0x2000  }
.LBB2_2:
0x6f: {  	s8 =	sadd.s32 $0x200, s18  }
0x70: {  	[sflag:s11] =	ssyncset.done $0x0;
	s6 =	smov.u32 s5;
	s7 =	sadd.s32 $0x1000, s5  }
0x71: {  	p1 =	sne.s32 s5, $0x9000;
	[sflag:s11] =	ssyncadd.s32 $0xFFFFE000  }
0x72: {  	[tilespmem:s20], [sflag:$0x5] =	stream.indirect.gather [hbm4b:s4+s13], $0x40, s8, s13, $0xb8;
	[tilespmem:$0x1F000] =	vst v63  }
0x73: {  	s5 =	sadd.s32 $0x280, s18  }
0x74: {  	[tilespmem:s21], [sflag:$0x6] =	stream.indirect.gather [hbm4b:s4+s13], $0x40, s5, s13, $0xb8;
	[tilespmem:$0x1F000] =	vst v63  }
0x75: {  	s5 =	sadd.s32 $0x300, s18  }
0x76: {  	[tilespmem:s22], [sflag:$0x7] =	stream.indirect.gather [hbm4b:s4+s13], $0x40, s5, s13, $0xb8;
	[tilespmem:$0x1F000] =	vst v63  }
0x77: {  	s5 =	sadd.s32 $0x380, s18  }
0x78: {  	[tilespmem:s23], [sflag:$0x8] =	stream.indirect.gather [hbm4b:s4+s13], $0x40, s5, s13, $0xb8;
	[tilespmem:$0x1F000] =	vst v63  }
0x79: {  	_ =	swait.ge [sflag:s24], $0x2000  }
0x7a: {  	s5 =	sadd.s32 $0x2800, s18;
	[sflag:s24] =	ssyncset.done $0x0  }
0x7b: {  	[sflag:s24] =	ssyncadd.s32 $0xFFFFE000  }
0x7c: {  	[spmem:s1] =	stream.indirect.scatter.add.f32 [tilespmem:s14], [sflag:$0x9], $0x40, s5, s13, $0xb8;
	[tilespmem:$0x1F000] =	vst v63  }
0x7d: {  	_ =	swait.ge [sflag:s11], $0x2000  }
0x7e: {  	[sflag:s11] =	ssyncset.done $0x0  }
0x7f: {  	[sflag:s11] =	ssyncadd.s32 $0xFFFFE000  }
0x80: {  	_ =	swait.ge [sflag:s26], $0x2000  }
0x81: {  	s5 =	sadd.s32 $0x2880, s18;
	[sflag:s26] =	ssyncset.done $0x0  }
0x82: {  	[sflag:s26] =	ssyncadd.s32 $0xFFFFE000  }
0x83: {  	[spmem:s1] =	stream.indirect.scatter.add.f32 [tilespmem:s15], [sflag:$0x9], $0x40, s5, s13, $0xb8;
	[tilespmem:$0x1F000] =	vst v63  }
0x84: {  	_ =	swait.ge [sflag:s11], $0x2000  }
0x85: {  	[sflag:s11] =	ssyncset.done $0x0  }
0x86: {  	[sflag:s11] =	ssyncadd.s32 $0xFFFFE000  }
0x87: {  	_ =	swait.ge [sflag:s28], $0x2000  }
0x88: {  	s5 =	sadd.s32 $0x2900, s18;
	[sflag:s28] =	ssyncset.done $0x0  }
0x89: {  	[sflag:s28] =	ssyncadd.s32 $0xFFFFE000  }
0x8a: {  	[spmem:s1] =	stream.indirect.scatter.add.f32 [tilespmem:s17], [sflag:$0x9], $0x40, s5, s13, $0xb8;
	[tilespmem:$0x1F000] =	vst v63  }
0x8b: {  	_ =	swait.ge [sflag:s11], $0x2000  }
0x8c: {  	[sflag:s11] =	ssyncset.done $0x0  }
0x8d: {  	[sflag:s11] =	ssyncadd.s32 $0xFFFFE000  }
0x8e: {  	_ =	swait.ge [sflag:s29], $0x2000  }
0x8f: {  	s5 =	sadd.s32 $0x2980, s18;
	[sflag:s29] =	ssyncset.done $0x0  }
0x90: {  	s8 =	smin.u32 s3, $0x47;
	[sflag:s29] =	ssyncadd.s32 $0xFFFFE000  }
0x91: {  	[spmem:s1] =	stream.indirect.scatter.add.f32 [tilespmem:s19], [sflag:$0x9], $0x40, s5, s13, $0xb8;
	[tilespmem:$0x1F000] =	vst v63  }
0x92: {  	s5 =	sshll.u32 s8, $0x7;
	_ =	swait.ge [sflag:s11], $0x2000  }
0x93: {  	s8 =	smin.u32 s3, $0x46;
	s5 =	sadd.s32 $0x400, s5;
	[sflag:s11] =	ssyncset.done $0x0  }
0x94: {  	s9 =	smin.u32 s3, $0x45;
	s8 =	sshll.u32 s8, $0x7;
	[sflag:s11] =	ssyncadd.s32 $0xFFFFE000  }
0x95: {  	[tilespmem:s14], [sflag:$0x1] =	stream.indirect.gather [hbm4b:s4+s13], $0x40, s5, s13, $0xb8;
	[tilespmem:$0x1F000] =	vst v63  }
0x96: {  	s5 =	sadd.s32 $0x480, s8;
	s8 =	sshll.u32 s9, $0x7;
	s9 =	smin.u32 s3, $0x44  }
0x97: {  	[tilespmem:s15], [sflag:$0x2] =	stream.indirect.gather [hbm4b:s4+s13], $0x40, s5, s13, $0xb8;
	[tilespmem:$0x1F000] =	vst v63  }
0x98: {  	s5 =	sadd.s32 $0x500, s8;
	s8 =	sshll.u32 s9, $0x7  }
0x99: {  	[tilespmem:s17], [sflag:$0x3] =	stream.indirect.gather [hbm4b:s4+s13], $0x40, s5, s13, $0xb8;
	[tilespmem:$0x1F000] =	vst v63  }
0x9a: {  	s5 =	sadd.s32 $0x580, s8  }
0x9b: {  	[tilespmem:s19], [sflag:$0x4] =	stream.indirect.gather [hbm4b:s4+s13], $0x40, s5, s13, $0xb8;
	[tilespmem:$0x1F000] =	vst v63  }
0x9c: {  	_ =	swait.ge [sflag:s30], $0x2000  }
0x9d: {  	s5 =	sadd.s32 $0x2A00, s18;
	[sflag:s30] =	ssyncset.done $0x0  }
0x9e: {  	[sflag:s30] =	ssyncadd.s32 $0xFFFFE000  }
0x9f: {  	[spmem:s1] =	stream.indirect.scatter.add.f32 [tilespmem:s20], [sflag:$0x9], $0x40, s5, s13, $0xb8;
	[tilespmem:$0x1F000] =	vst v63  }
0xa0: {  	_ =	swait.ge [sflag:s11], $0x2000  }
0xa1: {  	[sflag:s11] =	ssyncset.done $0x0  }
0xa2: {  	[sflag:s11] =	ssyncadd.s32 $0xFFFFE000  }
0xa3: {  	_ =	swait.ge [sflag:s31], $0x2000  }
0xa4: {  	s5 =	sadd.s32 $0x2A80, s18;
	[sflag:s31] =	ssyncset.done $0x0  }
0xa5: {  	[sflag:s31] =	ssyncadd.s32 $0xFFFFE000  }
0xa6: {  	[spmem:s1] =	stream.indirect.scatter.add.f32 [tilespmem:s21], [sflag:$0x9], $0x40, s5, s13, $0xb8;
	[tilespmem:$0x1F000] =	vst v63  }
0xa7: {  	_ =	swait.ge [sflag:s11], $0x2000  }
0xa8: {  	[sflag:s11] =	ssyncset.done $0x0  }
0xa9: {  	[sflag:s11] =	ssyncadd.s32 $0xFFFFE000  }
0xaa: {  	_ =	swait.ge [sflag:s0], $0x2000  }
0xab: {  	s5 =	sadd.s32 $0x2B00, s18;
	[sflag:s0] =	ssyncset.done $0x0  }
0xac: {  	[sflag:s0] =	ssyncadd.s32 $0xFFFFE000  }
0xad: {  	[spmem:s1] =	stream.indirect.scatter.add.f32 [tilespmem:s22], [sflag:$0x9], $0x40, s5, s13, $0xb8;
	[tilespmem:$0x1F000] =	vst v63  }
0xae: {  	_ =	swait.ge [sflag:s11], $0x2000  }
0xaf: {  	[sflag:s11] =	ssyncset.done $0x0  }
0xb0: {  	[sflag:s11] =	ssyncadd.s32 $0xFFFFE000  }
.Ltmp0:
0xb1: {  	_ =	swait.ge [sflag:s12], $0x2000;
	(pc) =	sbr.rel @p1 .LBB2_2-.Ltmp0, $4  }
0xb2: {  	s5 =	sadd.s32 $0x2B80, s18;
	[sflag:s12] =	ssyncset.done $0x0  }
0xb3: {  	s3 =	sadd.s32 $0x8, s3;
	[sflag:s12] =	ssyncadd.s32 $0xFFFFE000  }
0xb4: {  	[spmem:s1] =	stream.indirect.scatter.add.f32 [tilespmem:s23], [sflag:$0x9], $0x40, s5, s13, $0xb8;
	[tilespmem:$0x1F000] =	vst v63  }
0xb5: {  	s18 =	sshra.s32 s6, $0x2;
	s5 =	smov.u32 s7;
	_ =	swait.ge [sflag:s11], $0x2000  }
0xb6: {  	[sflag:s11] =	ssyncset.done $0x0  }
0xb7: {  	s5 =	sadd.s32 $0x200, s18;
	[sflag:s11] =	ssyncadd.s32 $0xFFFFE000  }
0xb8: {  	[tilespmem:s20], [sflag:$0x5] =	stream.indirect.gather [hbm4b:s4+s13], $0x40, s5, s13, $0xb8;
	[tilespmem:$0x1F000] =	vst v63  }
0xb9: {  	s6 =	sadd.s32 $0x280, s18  }
0xba: {  	[tilespmem:s21], [sflag:$0x6] =	stream.indirect.gather [hbm4b:s4+s13], $0x40, s6, s13, $0xb8;
	[tilespmem:$0x1F000] =	vst v63  }
0xbb: {  	s7 =	sadd.s32 $0x300, s18  }
0xbc: {  	[tilespmem:s22], [sflag:$0x7] =	stream.indirect.gather [hbm4b:s4+s13], $0x40, s7, s13, $0xb8;
	[tilespmem:$0x1F000] =	vst v63  }
0xbd: {  	s8 =	sadd.s32 $0x380, s18  }
0xbe: {  	[tilespmem:s23], [sflag:$0x8] =	stream.indirect.gather [hbm4b:s4+s13], $0x40, s8, s13, $0xb8;
	[tilespmem:$0x1F000] =	vst v63  }
0xbf: {  	_ =	swait.ge [sflag:s24], $0x2000  }
0xc0: {  	[sflag:s24] =	ssyncset.done $0x0  }
0xc1: {  	s9 =	sadd.s32 $0x2800, s18;
	[sflag:s24] =	ssyncadd.s32 $0xFFFFE000  }
0xc2: {  	[spmem:s1] =	stream.indirect.scatter.add.f32 [tilespmem:s14], [sflag:$0x9], $0x40, s9, s13, $0xb8;
	[tilespmem:$0x1F000] =	vst v63  }
0xc3: {  	_ =	swait.ge [sflag:s11], $0x2000  }
0xc4: {  	[sflag:s11] =	ssyncset.done $0x0  }
0xc5: {  	[sflag:s11] =	ssyncadd.s32 $0xFFFFE000  }
0xc6: {  	_ =	swait.ge [sflag:s26], $0x2000  }
0xc7: {  	[sflag:s26] =	ssyncset.done $0x0  }
0xc8: {  	s6 =	sadd.s32 $0x2880, s18;
	[sflag:s26] =	ssyncadd.s32 $0xFFFFE000  }
0xc9: {  	[spmem:s1] =	stream.indirect.scatter.add.f32 [tilespmem:s15], [sflag:$0x9], $0x40, s6, s13, $0xb8;
	[tilespmem:$0x1F000] =	vst v63  }
0xca: {  	_ =	swait.ge [sflag:s11], $0x2000  }
0xcb: {  	[sflag:s11] =	ssyncset.done $0x0  }
0xcc: {  	[sflag:s11] =	ssyncadd.s32 $0xFFFFE000  }
0xcd: {  	_ =	swait.ge [sflag:s28], $0x2000  }
0xce: {  	[sflag:s28] =	ssyncset.done $0x0  }
0xcf: {  	s7 =	sadd.s32 $0x2900, s18;
	[sflag:s28] =	ssyncadd.s32 $0xFFFFE000  }
0xd0: {  	[spmem:s1] =	stream.indirect.scatter.add.f32 [tilespmem:s17], [sflag:$0x9], $0x40, s7, s13, $0xb8;
	[tilespmem:$0x1F000] =	vst v63  }
0xd1: {  	_ =	swait.ge [sflag:s11], $0x2000  }
0xd2: {  	[sflag:s11] =	ssyncset.done $0x0  }
0xd3: {  	[sflag:s11] =	ssyncadd.s32 $0xFFFFE000  }
0xd4: {  	_ =	swait.ge [sflag:s29], $0x2000  }
0xd5: {  	[sflag:s29] =	ssyncset.done $0x0  }
0xd6: {  	s8 =	sadd.s32 $0x2980, s18;
	[sflag:s29] =	ssyncadd.s32 $0xFFFFE000  }
0xd7: {  	[spmem:s1] =	stream.indirect.scatter.add.f32 [tilespmem:s19], [sflag:$0x9], $0x40, s8, s13, $0xb8;
	[tilespmem:$0x1F000] =	vst v63  }
0xd8: {  	s9 =	smin.u32 s3, $0x47;
	_ =	swait.ge [sflag:s11], $0x2000  }
0xd9: {  	s5 =	sshll.u32 s9, $0x7;
	[sflag:s11] =	ssyncset.done $0x0  }
0xda: {  	s5 =	sadd.s32 $0x400, s5;
	s6 =	smin.u32 s3, $0x46;
	[sflag:s11] =	ssyncadd.s32 $0xFFFFE000  }
0xdb: {  	[tilespmem:s14], [sflag:$0x1] =	stream.indirect.gather [hbm4b:s4+s13], $0x40, s5, s13, $0xb8;
	[tilespmem:$0x1F000] =	vst v63  }
0xdc: {  	s5 =	sshll.u32 s6, $0x7  }
0xdd: {  	s7 =	smin.u32 s3, $0x45;
	s5 =	sadd.s32 $0x480, s5  }
0xde: {  	[tilespmem:s15], [sflag:$0x2] =	stream.indirect.gather [hbm4b:s4+s13], $0x40, s5, s13, $0xb8;
	[tilespmem:$0x1F000] =	vst v63  }
0xdf: {  	s8 =	smin.u32 s3, $0x44;
	s5 =	sshll.u32 s7, $0x7  }
0xe0: {  	s3 =	sshll.u32 s8, $0x7;
	s5 =	sadd.s32 $0x500, s5  }
0xe1: {  	[tilespmem:s17], [sflag:$0x3] =	stream.indirect.gather [hbm4b:s4+s13], $0x40, s5, s13, $0xb8;
	[tilespmem:$0x1F000] =	vst v63  }
0xe2: {  	s3 =	sadd.s32 $0x580, s3  }
0xe3: {  	[tilespmem:s19], [sflag:$0x4] =	stream.indirect.gather [hbm4b:s4+s13], $0x40, s3, s13, $0xb8;
	[tilespmem:$0x1F000] =	vst v63  }
0xe4: {  	_ =	swait.ge [sflag:s30], $0x2000  }
0xe5: {  	[sflag:s30] =	ssyncset.done $0x0  }
0xe6: {  	s9 =	sadd.s32 $0x2A00, s18;
	[sflag:s30] =	ssyncadd.s32 $0xFFFFE000  }
0xe7: {  	[spmem:s1] =	stream.indirect.scatter.add.f32 [tilespmem:s20], [sflag:$0x9], $0x40, s9, s13, $0xb8;
	[tilespmem:$0x1F000] =	vst v63  }
0xe8: {  	_ =	swait.ge [sflag:s11], $0x2000  }
0xe9: {  	[sflag:s11] =	ssyncset.done $0x0  }
0xea: {  	[sflag:s11] =	ssyncadd.s32 $0xFFFFE000  }
0xeb: {  	_ =	swait.ge [sflag:s31], $0x2000  }
0xec: {  	[sflag:s31] =	ssyncset.done $0x0  }
0xed: {  	s5 =	sadd.s32 $0x2A80, s18;
	[sflag:s31] =	ssyncadd.s32 $0xFFFFE000  }
0xee: {  	[spmem:s1] =	stream.indirect.scatter.add.f32 [tilespmem:s21], [sflag:$0x9], $0x40, s5, s13, $0xb8;
	[tilespmem:$0x1F000] =	vst v63  }
0xef: {  	_ =	swait.ge [sflag:s11], $0x2000  }
0xf0: {  	[sflag:s11] =	ssyncset.done $0x0  }
0xf1: {  	[sflag:s11] =	ssyncadd.s32 $0xFFFFE000  }
0xf2: {  	_ =	swait.ge [sflag:s0], $0x2000  }
0xf3: {  	[sflag:s0] =	ssyncset.done $0x0  }
0xf4: {  	s6 =	sadd.s32 $0x2B00, s18;
	[sflag:s0] =	ssyncadd.s32 $0xFFFFE000  }
0xf5: {  	[spmem:s1] =	stream.indirect.scatter.add.f32 [tilespmem:s22], [sflag:$0x9], $0x40, s6, s13, $0xb8;
	[tilespmem:$0x1F000] =	vst v63  }
0xf6: {  	_ =	swait.ge [sflag:s11], $0x2000  }
0xf7: {  	[sflag:s11] =	ssyncset.done $0x0  }
0xf8: {  	[sflag:s11] =	ssyncadd.s32 $0xFFFFE000  }
0xf9: {  	_ =	swait.ge [sflag:s12], $0x2000  }
0xfa: {  	[sflag:s12] =	ssyncset.done $0x0  }
0xfb: {  	s7 =	sadd.s32 $0x2B80, s18;
	[sflag:s12] =	ssyncadd.s32 $0xFFFFE000  }
0xfc: {  	[spmem:s1] =	stream.indirect.scatter.add.f32 [tilespmem:s23], [sflag:$0x9], $0x40, s7, s13, $0xb8;
	[tilespmem:$0x1F000] =	vst v63  }
0xfd: {  	_ =	swait.ge [sflag:s11], $0x2000  }
0xfe: {  	[sflag:s11] =	ssyncset.done $0x0  }
0xff: {  	[sflag:s11] =	ssyncadd.s32 $0xFFFFE000  }
0x100: {  	_ =	swait.ge [sflag:s24], $0x2000  }
0x101: {  	[sflag:s24] =	ssyncset.done $0x0  }
0x102: {  	[sflag:s24] =	ssyncadd.s32 $0xFFFFE000  }
0x103: {  	_ =	swait.ge [sflag:s26], $0x2000  }
0x104: {  	[sflag:s26] =	ssyncset.done $0x0  }
0x105: {  	[sflag:s26] =	ssyncadd.s32 $0xFFFFE000  }
0x106: {  	_ =	swait.ge [sflag:s28], $0x2000  }
0x107: {  	[sflag:s28] =	ssyncset.done $0x0  }
0x108: {  	[sflag:s28] =	ssyncadd.s32 $0xFFFFE000  }
0x109: {  	_ =	swait.ge [sflag:s29], $0x2000  }
0x10a: {  	[sflag:s29] =	ssyncset.done $0x0  }
0x10b: {  	s8 =	stileid.u32;
	[sflag:s29] =	ssyncadd.s32 $0xFFFFE000  }
0x10c: {  	s3 =	sshll.u32 s8, $0x6;
	[bflag:$0x0] =	sbarrier.arrive $0xFFFF  }
0x10d: {  	s3 =	sor.u32 $0x1C09, s3;
	s9 =	rddreg [dreg:$0x6]  }
0x10e: {  	[hbm:s9], [sflag:s3] =	dma.local [spmem:s25], $0x1400  }
0x10f: {  	_ =	swait.ge [sflag:s11], $0x1400  }
0x110: {  	s16 =	sadd.s32 $0x1, s16;
	s18 =	rddreg [dreg:$0x7]  }
0x111: {  	p1 =	sne.s32 s16, s18  }
.Ltmp1:
0x112: {  	_ = 	snop;
	(pc) =	sbr.rel @p1 .LBB2_1-.Ltmp1, $3  }
0x113: {  	_ =	sdelay $0x1  }
0x114: {  	[sflag:s11] =	ssyncset.done $0x0  }
0x115: {  	[sflag:s11] =	ssyncadd.s32 $0xFFFFEC00  }
0x116: {  	_ =	sfence.sel $0x180000  }
0x117: {  	[bflag:$0x0] =	sbarrier.arrive $0xFFFF  }
0x118: {  	_ =	strace $0x9000004A  }
0x119: {  	[bflag:$0x2] =	sbarrier.arrive $0xFFFF  }
0x11a: {  	s0 =	rddreg [dreg:$0x2]  }
0x11b: {  	s0 =	sadd.s32 @!p0 $0x100000, s0  }
0x11c: {  	[sflag:s0] =	ssyncadd.tile.s32 @!p0 $0x1;
	_ =	shalt  }
.Lfunc_end2:
_tile_overlayer_lowered:
.L_overlay_start_2:
0x11d: {  	(tag) =	ssettag $0x2  }
0x11e: {  	s0 =	rddreg [dreg:$0x0];
	s2 =	stileid.u32  }
0x11f: {  	s1 =	rddreg [dreg:$0x1];
	p0 =	sne.s32 s2, $0x0  }
0x120: {  	s3 =	rddreg [dreg:$0x2];
	[bflag:$0x3] =	sbarrier.arrive $0xFFFF;
	s2 =	simm.s32 @!p0 $0x1C09  }
0x121: {  	[timem:s3], [sflag:s2] =	dma.local @!p0 [hbm:s0], s1  }
0x122: {  	s0 =	simm.s32 @!p0 $0x9  }
0x123: {  	_ =	swait.ge @!p0 [sflag:s0], s1  }
0x124: {  	s1 =	ssub.s32 @!p0 $0x0, s1;
	[sflag:s0] =	ssyncset.done @!p0 $0x0  }
0x125: {  	[sflag:s0] =	ssyncadd.s32 @!p0 s1  }
0x126: {  	[bflag:$0x3] =	sbarrier.arrive $0xFFFF  }
0x127: {  	_ =	shalt  }

</sc_bundles>
